<compile_context>
chip_gen: v7x
topology: tpu7x:2x2x1
jax: 0.10.2.dev20260603
libtpu: 0.0.44.dev20260713+nightly
codegen_flags: <defaults>
</compile_context>

<pallas_src>
import functools

import jax
import jax.numpy as jnp
from jax import lax
from jax.experimental import pallas as pl
from jax.experimental.pallas import tpu as pltpu
from jax.experimental.pallas import tpu_sc as plsc

N_NODES = 10000
N_EDGES = 160000
D = 256
HALF = 128

NC = 2
NS = 16

CHUNK = 128
E_PER_TILE = 10240
E_PAD = E_PER_TILE * NS
CHUNKS_PER_TILE = E_PER_TILE // CHUNK
W_CH = 8
NWIN = CHUNKS_PER_TILE // W_CH

ACC_ROWS = 10112
ROWS_PER_TILE = ACC_ROWS // NS


def _make_sc_kernel():
    mesh = plsc.VectorSubcoreMesh(core_axis_name="c", subcore_axis_name="s")

    @functools.partial(
        pl.kernel,
        out_type=jax.ShapeDtypeStruct((NC, ACC_ROWS, HALF), jnp.float32),
        mesh=mesh,
        scratch_types=[
            pltpu.VMEM_SHARED((ACC_ROWS, HALF), jnp.float32),
            pltpu.VMEM((2, W_CH, CHUNK), jnp.int32),
            pltpu.VMEM((2, W_CH, CHUNK), jnp.int32),
            pltpu.VMEM((2, CHUNK, HALF), jnp.float32),
            pltpu.SemaphoreType.DMA,
            pltpu.SemaphoreType.DMA,
            pltpu.SemaphoreType.DMA,
        ],
    )
    def sc_kernel(feat_r, src2, dst2, zeros_hbm, h2,
                  acc, dst_w, gidx_w, rows_v, gsem, ssem, rsem):
        c = lax.axis_index("c")
        s = lax.axis_index("s")

        pltpu.sync_copy(zeros_hbm, acc.at[pl.ds(s * ROWS_PER_TILE,
                                                ROWS_PER_TILE)])

        row0 = s * CHUNKS_PER_TILE

        grow0 = c * (NS * CHUNKS_PER_TILE) + row0

        def _refill(w, b):
            pltpu.async_copy(src2.at[pl.ds(grow0 + w * W_CH, W_CH)],
                             gidx_w.at[b], rsem)
            pltpu.async_copy(dst2.at[pl.ds(row0 + w * W_CH, W_CH)],
                             dst_w.at[b], rsem)

        def _refill_wait():
            pltpu.make_async_copy(src2.at[pl.ds(row0, W_CH)],
                                  gidx_w.at[0], rsem).wait()
            pltpu.make_async_copy(dst2.at[pl.ds(row0, W_CH)],
                                  dst_w.at[0], rsem).wait()

        def _gather(idx_row, buf):
            pltpu.async_copy(feat_r.at[idx_row], rows_v.at[buf], gsem)

        def _gather_wait(buf):
            pltpu.make_async_copy(feat_r.at[gidx_w.at[0, 0]],
                                  rows_v.at[buf], gsem).wait()

        def _scat(idx_row, buf):
            pltpu.async_copy(rows_v.at[buf], acc.at[idx_row], ssem, add=True)

        def _scat_wait(buf):
            pltpu.make_async_copy(rows_v.at[buf], acc.at[dst_w.at[0, 0]],
                                  ssem).wait()

        _refill(0, 0)
        _refill_wait()

        plsc.subcore_barrier()

        _gather(gidx_w.at[0, 0], 0)

        @pl.loop(0, NWIN)
        def _(w):
            wb = lax.rem(w, 2)
            nwb = 1 - wb
            not_last = w + 1 < NWIN

            for k in range(0, W_CH, 2):
                _gather_wait(0)

                if k == 0:
                    @pl.when(w > 0)
                    def _():
                        _scat_wait(1)

                    @pl.when(not_last)
                    def _():
                        _refill(w + 1, nwb)
                else:
                    _scat_wait(1)

                _gather(gidx_w.at[wb, k + 1], 1)
                _scat(dst_w.at[wb, k], 0)
                _gather_wait(1)
                _scat_wait(0)

                if k == W_CH - 2:
                    @pl.when(not_last)
                    def _():
                        _refill_wait()
                        _gather(gidx_w.at[nwb, 0], 0)
                else:
                    _gather(gidx_w.at[wb, k + 2], 0)

                _scat(dst_w.at[wb, k + 1], 1)

        _scat_wait(1)

        plsc.subcore_barrier()

        pltpu.sync_copy(acc.at[pl.ds(s * ROWS_PER_TILE, ROWS_PER_TILE)],
                        h2.at[c, pl.ds(s * ROWS_PER_TILE, ROWS_PER_TILE)])

    return sc_kernel


_sc_kernel = _make_sc_kernel()


def _mm_body(h2_ref, wt_ref, b_ref, o_ref):
    o_ref[...] = (
        jnp.dot(h2_ref[0], wt_ref[0], preferred_element_type=jnp.float32,
                precision=lax.Precision.HIGHEST)
        + jnp.dot(h2_ref[1], wt_ref[1], preferred_element_type=jnp.float32,
                  precision=lax.Precision.HIGHEST)
        + b_ref[...]
    )


_MM_ROWS = 2000


@jax.jit
def kernel(feat, edge_index, W, b):
    feat = feat.astype(jnp.float32)
    src = edge_index[0].astype(jnp.int32)
    dst = edge_index[1].astype(jnp.int32)

    pad = E_PAD - N_EDGES
    src_p = jnp.concatenate([src, jnp.zeros((pad,), jnp.int32)])
    dst_p = jnp.concatenate([dst, jnp.full((pad,), N_NODES, jnp.int32)])
    src2 = jnp.concatenate([2 * src_p, 2 * src_p + 1])
    src2 = src2.reshape(NC * NS * CHUNKS_PER_TILE, CHUNK)
    dst2 = dst_p.reshape(NS * CHUNKS_PER_TILE, CHUNK)

    feat_r = feat.reshape(2 * N_NODES, HALF)
    zeros_hbm = jnp.zeros((ROWS_PER_TILE, HALF), jnp.float32)

    h2 = _sc_kernel(feat_r, src2, dst2, zeros_hbm)

    wt_stack = jnp.stack([W[:, :HALF].T, W[:, HALF:].T])
    b2 = b.reshape(1, D)

    out = pl.pallas_call(
        _mm_body,
        grid=(N_NODES // _MM_ROWS,),
        in_specs=[
            pl.BlockSpec((NC, _MM_ROWS, HALF), lambda i: (0, i, 0)),
            pl.BlockSpec((NC, HALF, D), lambda i: (0, 0, 0)),
            pl.BlockSpec((1, D), lambda i: (0, 0)),
        ],
        out_specs=pl.BlockSpec((_MM_ROWS, D), lambda i: (i, 0)),
        out_shape=jax.ShapeDtypeStruct((N_NODES, D), jnp.float32),
    )(h2, wt_stack, b2)

    return out

# --- scband reference (transcript-rebuilt; emitter-appended) ---
"""Pipeline reference for scband-gcnlayer-with-partition-10642928960048 (READ-ONLY COPY).

The authoritative reference and input builder live on the scoring server;
editing this copy changes nothing except your own understanding.
"""

import jax, jax.numpy as jnp
import numpy as np

N_NODES = 10000
N_EDGES = 160000
D_IN = 256
D_OUT = 256


def setup_inputs(seed: int = 0) -> dict:
    key = jax.random.key(seed)
    k1, k2, k3, k4 = jax.random.split(key, 4)
    feat = jax.random.normal(k1, (N_NODES, D_IN), dtype=jnp.float32)
    edge_index = jax.random.randint(k2, (2, N_EDGES), 0, N_NODES, dtype=jnp.int64)
    # nn.Linear(in_feats, out_feats) parameters
    bound = 1.0 / np.sqrt(D_IN)
    W = jax.random.uniform(k3, (D_OUT, D_IN), dtype=jnp.float32, minval=-bound, maxval=bound)
    b = jax.random.uniform(k4, (D_OUT,), dtype=jnp.float32, minval=-bound, maxval=bound)
    return {"feat": feat, "edge_index": edge_index, "W": W, "b": b}


def reference(feat, edge_index, W, b):
    # Single-device semantics of the distributed GCN layer:
    # the all_to_all halo exchange is the identity on one partition, so the
    # remaining computation is graph.update_all(copy_u('h','m'), sum('m','h'))
    # followed by a linear projection.
    src = edge_index[0]
    dst = edge_index[1]
    # copy_u: messages are source-node features (gather)
    msgs = jnp.take(feat, src, axis=0)
    # sum reduce by destination node (scatter-add / segment_sum)
    h = jax.ops.segment_sum(msgs, dst, num_segments=N_NODES)
    # linear layer: h @ W^T + b
    out = h @ W.T + b
    return out

if __name__ == "__main__":
    import jax
    _d = setup_inputs()
    print(jax.jit(kernel)(*tuple(_d.values())))

</pallas_src>

<mosaic_0001>
#map = affine_map<(d0, d1) -> (0, 0)>
#map1 = affine_map<(d0, d1) -> (0, 0, 0)>
module attributes {stable_mosaic.version = 14 : i64} {
  func.func @sc_kernel(%arg0: i32, %arg1: i32, %arg2: memref<20000x128xf32, #tpu.memory_space<hbm>>, %arg3: memref<2560x128xi32, #tpu.memory_space<hbm>>, %arg4: memref<1280x128xi32, #tpu.memory_space<hbm>>, %arg5: memref<632x128xf32, #tpu.memory_space<hbm>>, %arg6: memref<2x10112x128xf32, #tpu.memory_space<hbm>>, %arg7: memref<10112x128xf32, #tpu.memory_space<vmem_shared>>, %arg8: memref<2x8x128xi32, #tpu.memory_space<vmem>>, %arg9: memref<2x8x128xi32, #tpu.memory_space<vmem>>, %arg10: memref<2x128x128xf32, #tpu.memory_space<vmem>>, %arg11: memref<!tpu.dma_semaphore, #tpu.memory_space<semaphore_mem>>, %arg12: memref<!tpu.dma_semaphore, #tpu.memory_space<semaphore_mem>>, %arg13: memref<!tpu.dma_semaphore, #tpu.memory_space<semaphore_mem>>) attributes {dimension_semantics = [#tpu.dimension_semantics<core_parallel>, #tpu.dimension_semantics<subcore_parallel>], iteration_bounds = array<i64: 2, 16>, scalar_prefetch = 0 : i64, scratch_operands = 7 : i64, tpu.core_type = #tpu.core_type<sc_vector_subcore>, window_params = [{transform_indices = #map}, {transform_indices = #map}, {transform_indices = #map}, {transform_indices = #map}, {transform_indices = #map1}]} {
    %mul3A = arith.constant 632 : i32
    %mul3A_0 = arith.muli %arg1, %mul3A : i32
    "tpu.region"() ({
      %run_scoped3A = tpu.sem_alloc : memref<!tpu.dma_semaphore, #tpu.memory_space<semaphore_mem>>
      %dma_start3A_94 = arith.constant 0 : i32
      %dma_start3A_95 = tpu.memref_slice %arg7[%mul3A_0, %dma_start3A_94] : memref<10112x128xf32, #tpu.memory_space<vmem_shared>> -> memref<632x128xf32, #tpu.memory_space<vmem_shared>>
      tpu.enqueue_dma source(%arg5 : memref<632x128xf32, #tpu.memory_space<hbm>>) target(%dma_start3A_95 : memref<632x128xf32, #tpu.memory_space<vmem_shared>>) target_semaphore(%run_scoped3A : memref<!tpu.dma_semaphore, #tpu.memory_space<semaphore_mem>>)
      %dma_wait3A_96 = arith.constant 0 : i32
      %dma_wait3A_97 = tpu.memref_slice %arg7[%mul3A_0, %dma_wait3A_96] : memref<10112x128xf32, #tpu.memory_space<vmem_shared>> -> memref<632x128xf32, #tpu.memory_space<vmem_shared>>
      tpu.wait_dma2 semaphore(%run_scoped3A : memref<!tpu.dma_semaphore, #tpu.memory_space<semaphore_mem>>) src(%arg5 : memref<632x128xf32, #tpu.memory_space<hbm>>) dst(%dma_wait3A_97 : memref<632x128xf32, #tpu.memory_space<vmem_shared>>)
      tpu.yield
    }) : () -> ()
    %mul3A_1 = arith.constant 80 : i32
    %mul3A_2 = arith.muli %arg1, %mul3A_1 : i32
    %mul3A_3 = arith.constant 1280 : i32
    %mul3A_4 = arith.muli %arg0, %mul3A_3 : i32
    %add3A = arith.addi %mul3A_4, %mul3A_2 : i32
    %add3A_5 = arith.constant 0 : i32
    %add3A_6 = arith.addi %add3A, %add3A_5 : i32
    %dma_start3A = arith.constant 0 : i32
    %dma_start3A_7 = arith.constant 0 : i32
    %dma_start3A_8 = arith.constant 0 : i32
    %dma_start3A_9 = tpu.memref_slice %arg9[%dma_start3A, %dma_start3A_7, %dma_start3A_8] : memref<2x8x128xi32, #tpu.memory_space<vmem>> -> memref<1x8x128xi32, #tpu.memory_space<vmem>>
    %dma_start3A_10 = tpu.memref_squeeze %dma_start3A_9 : memref<1x8x128xi32, #tpu.memory_space<vmem>> -> memref<8x128xi32, #tpu.memory_space<vmem>>
    %dma_start3A_11 = arith.constant 0 : i32
    %dma_start3A_12 = tpu.memref_slice %arg3[%add3A_6, %dma_start3A_11] : memref<2560x128xi32, #tpu.memory_space<hbm>> -> memref<8x128xi32, #tpu.memory_space<hbm>>
    %dma_start3A_13 = arith.constant 0 : i32
    %dma_start3A_14 = arith.constant 0 : i32
    %dma_start3A_15 = tpu.memref_slice %arg9[%dma_start3A, %dma_start3A_13, %dma_start3A_14] : memref<2x8x128xi32, #tpu.memory_space<vmem>> -> memref<1x8x128xi32, #tpu.memory_space<vmem>>
    %dma_start3A_16 = tpu.memref_squeeze %dma_start3A_15 : memref<1x8x128xi32, #tpu.memory_space<vmem>> -> memref<8x128xi32, #tpu.memory_space<vmem>>
    %dma_start3A_17 = arith.constant 0 : i32
    %dma_start3A_18 = tpu.memref_slice %arg3[%add3A_6, %dma_start3A_17] : memref<2560x128xi32, #tpu.memory_space<hbm>> -> memref<8x128xi32, #tpu.memory_space<hbm>>
    tpu.enqueue_dma source(%dma_start3A_18 : memref<8x128xi32, #tpu.memory_space<hbm>>) target(%dma_start3A_16 : memref<8x128xi32, #tpu.memory_space<vmem>>) target_semaphore(%arg13 : memref<!tpu.dma_semaphore, #tpu.memory_space<semaphore_mem>>)
    %add3A_19 = arith.constant 0 : i32
    %add3A_20 = arith.addi %mul3A_2, %add3A_19 : i32
    %dma_start3A_21 = arith.constant 0 : i32
    %dma_start3A_22 = arith.constant 0 : i32
    %dma_start3A_23 = arith.constant 0 : i32
    %dma_start3A_24 = tpu.memref_slice %arg8[%dma_start3A_21, %dma_start3A_22, %dma_start3A_23] : memref<2x8x128xi32, #tpu.memory_space<vmem>> -> memref<1x8x128xi32, #tpu.memory_space<vmem>>
    %dma_start3A_25 = tpu.memref_squeeze %dma_start3A_24 : memref<1x8x128xi32, #tpu.memory_space<vmem>> -> memref<8x128xi32, #tpu.memory_space<vmem>>
    %dma_start3A_26 = arith.constant 0 : i32
    %dma_start3A_27 = tpu.memref_slice %arg4[%add3A_20, %dma_start3A_26] : memref<1280x128xi32, #tpu.memory_space<hbm>> -> memref<8x128xi32, #tpu.memory_space<hbm>>
    %dma_start3A_28 = arith.constant 0 : i32
    %dma_start3A_29 = arith.constant 0 : i32
    %dma_start3A_30 = tpu.memref_slice %arg8[%dma_start3A_21, %dma_start3A_28, %dma_start3A_29] : memref<2x8x128xi32, #tpu.memory_space<vmem>> -> memref<1x8x128xi32, #tpu.memory_space<vmem>>
    %dma_start3A_31 = tpu.memref_squeeze %dma_start3A_30 : memref<1x8x128xi32, #tpu.memory_space<vmem>> -> memref<8x128xi32, #tpu.memory_space<vmem>>
    %dma_start3A_32 = arith.constant 0 : i32
    %dma_start3A_33 = tpu.memref_slice %arg4[%add3A_20, %dma_start3A_32] : memref<1280x128xi32, #tpu.memory_space<hbm>> -> memref<8x128xi32, #tpu.memory_space<hbm>>
    tpu.enqueue_dma source(%dma_start3A_33 : memref<8x128xi32, #tpu.memory_space<hbm>>) target(%dma_start3A_31 : memref<8x128xi32, #tpu.memory_space<vmem>>) target_semaphore(%arg13 : memref<!tpu.dma_semaphore, #tpu.memory_space<semaphore_mem>>)
    %dma_wait3A = arith.constant 0 : i32
    %dma_wait3A_34 = arith.constant 0 : i32
    %dma_wait3A_35 = arith.constant 0 : i32
    %dma_wait3A_36 = tpu.memref_slice %arg9[%dma_wait3A, %dma_wait3A_34, %dma_wait3A_35] : memref<2x8x128xi32, #tpu.memory_space<vmem>> -> memref<1x8x128xi32, #tpu.memory_space<vmem>>
    %dma_wait3A_37 = tpu.memref_squeeze %dma_wait3A_36 : memref<1x8x128xi32, #tpu.memory_space<vmem>> -> memref<8x128xi32, #tpu.memory_space<vmem>>
    %dma_wait3A_38 = arith.constant 0 : i32
    %dma_wait3A_39 = tpu.memref_slice %arg3[%mul3A_2, %dma_wait3A_38] : memref<2560x128xi32, #tpu.memory_space<hbm>> -> memref<8x128xi32, #tpu.memory_space<hbm>>
    %dma_wait3A_40 = arith.constant 0 : i32
    %dma_wait3A_41 = arith.constant 0 : i32
    %dma_wait3A_42 = tpu.memref_slice %arg9[%dma_wait3A, %dma_wait3A_40, %dma_wait3A_41] : memref<2x8x128xi32, #tpu.memory_space<vmem>> -> memref<1x8x128xi32, #tpu.memory_space<vmem>>
    %dma_wait3A_43 = tpu.memref_squeeze %dma_wait3A_42 : memref<1x8x128xi32, #tpu.memory_space<vmem>> -> memref<8x128xi32, #tpu.memory_space<vmem>>
    %dma_wait3A_44 = arith.constant 0 : i32
    %dma_wait3A_45 = tpu.memref_slice %arg3[%mul3A_2, %dma_wait3A_44] : memref<2560x128xi32, #tpu.memory_space<hbm>> -> memref<8x128xi32, #tpu.memory_space<hbm>>
    tpu.wait_dma2 semaphore(%arg13 : memref<!tpu.dma_semaphore, #tpu.memory_space<semaphore_mem>>) src(%dma_wait3A_45 : memref<8x128xi32, #tpu.memory_space<hbm>>) dst(%dma_wait3A_43 : memref<8x128xi32, #tpu.memory_space<vmem>>)
    %dma_wait3A_46 = arith.constant 0 : i32
    %dma_wait3A_47 = arith.constant 0 : i32
    %dma_wait3A_48 = arith.constant 0 : i32
    %dma_wait3A_49 = tpu.memref_slice %arg8[%dma_wait3A_46, %dma_wait3A_47, %dma_wait3A_48] : memref<2x8x128xi32, #tpu.memory_space<vmem>> -> memref<1x8x128xi32, #tpu.memory_space<vmem>>
    %dma_wait3A_50 = tpu.memref_squeeze %dma_wait3A_49 : memref<1x8x128xi32, #tpu.memory_space<vmem>> -> memref<8x128xi32, #tpu.memory_space<vmem>>
    %dma_wait3A_51 = arith.constant 0 : i32
    %dma_wait3A_52 = tpu.memref_slice %arg4[%mul3A_2, %dma_wait3A_51] : memref<1280x128xi32, #tpu.memory_space<hbm>> -> memref<8x128xi32, #tpu.memory_space<hbm>>
    %dma_wait3A_53 = arith.constant 0 : i32
    %dma_wait3A_54 = arith.constant 0 : i32
    %dma_wait3A_55 = tpu.memref_slice %arg8[%dma_wait3A_46, %dma_wait3A_53, %dma_wait3A_54] : memref<2x8x128xi32, #tpu.memory_space<vmem>> -> memref<1x8x128xi32, #tpu.memory_space<vmem>>
    %dma_wait3A_56 = tpu.memref_squeeze %dma_wait3A_55 : memref<1x8x128xi32, #tpu.memory_space<vmem>> -> memref<8x128xi32, #tpu.memory_space<vmem>>
    %dma_wait3A_57 = arith.constant 0 : i32
    %dma_wait3A_58 = tpu.memref_slice %arg4[%mul3A_2, %dma_wait3A_57] : memref<1280x128xi32, #tpu.memory_space<hbm>> -> memref<8x128xi32, #tpu.memory_space<hbm>>
    tpu.wait_dma2 semaphore(%arg13 : memref<!tpu.dma_semaphore, #tpu.memory_space<semaphore_mem>>) src(%dma_wait3A_58 : memref<8x128xi32, #tpu.memory_space<hbm>>) dst(%dma_wait3A_56 : memref<8x128xi32, #tpu.memory_space<vmem>>)
    %barrier3A = arith.constant 0 : index
    tpu.barrier barrier_id(%barrier3A)
    %dma_start3A_59 = arith.constant 0 : i32
    %dma_start3A_60 = arith.constant 0 : i32
    %dma_start3A_61 = arith.constant 0 : i32
    %dma_start3A_62 = arith.constant 0 : i32
    %dma_start3A_63 = arith.constant 0 : i32
    %dma_start3A_64 = tpu.memref_slice %arg10[%dma_start3A_61, %dma_start3A_62, %dma_start3A_63] : memref<2x128x128xf32, #tpu.memory_space<vmem>> -> memref<1x128x128xf32, #tpu.memory_space<vmem>>
    %dma_start3A_65 = tpu.memref_squeeze %dma_start3A_64 : memref<1x128x128xf32, #tpu.memory_space<vmem>> -> memref<128x128xf32, #tpu.memory_space<vmem>>
    %dma_start3A_66 = arith.constant 0 : i32
    %dma_start3A_67 = tpu.memref_slice %arg9[%dma_start3A_59, %dma_start3A_60, %dma_start3A_66] : memref<2x8x128xi32, #tpu.memory_space<vmem>> -> memref<1x1x128xi32, #tpu.memory_space<vmem>>
    %dma_start3A_68 = tpu.memref_squeeze %dma_start3A_67 : memref<1x1x128xi32, #tpu.memory_space<vmem>> -> memref<128xi32, #tpu.memory_space<vmem>>
    %dma_start3A_69 = arith.constant 0 : i32
    %dma_start3A_70 = arith.constant 0 : i32
    %dma_start3A_71 = tpu.memref_slice %arg2[%dma_start3A_69, %dma_start3A_70] : memref<20000x128xf32, #tpu.memory_space<hbm>> -> memref<20000x128xf32, #tpu.memory_space<hbm>>
    tpu.enqueue_indirect_dma source(%dma_start3A_71 : memref<20000x128xf32, #tpu.memory_space<hbm>>) target(%dma_start3A_65 : memref<128x128xf32, #tpu.memory_space<vmem>>) offsets(%dma_start3A_68 : memref<128xi32, #tpu.memory_space<vmem>>) semaphore(%arg11 : memref<!tpu.dma_semaphore, #tpu.memory_space<semaphore_mem>>)
    %scan3A = arith.constant 0 : i32
    %scan3A_72 = arith.constant 10 : i32
    %scan3A_73 = arith.addi %scan3A, %scan3A_72 : i32
    %scan3A_74 = arith.constant 1 : i32
    scf.for %scan3A_94 = %scan3A to %scan3A_73 step %scan3A_74  : i32 {
      %mul3A_95 = arith.constant 1 : i32
      %mul3A_96 = arith.muli %scan3A_94, %mul3A_95 : i32
      %add3A_97 = arith.constant 0 : i32
      %add3A_98 = arith.addi %add3A_97, %mul3A_96 : i32
      %rem3A = arith.constant 2 : i32
      %rem3A_99 = arith.remsi %add3A_98, %rem3A : i32
      %sub3A = arith.constant 1 : i32
      %sub3A_100 = arith.subi %sub3A, %rem3A_99 : i32
      %add3A_101 = arith.constant 1 : i32
      %add3A_102 = arith.addi %add3A_98, %add3A_101 : i32
      %lt3A = arith.constant 10 : i32
      %lt3A_103 = arith.cmpi slt, %add3A_102, %lt3A : i32
      %dma_wait3A_104 = arith.constant 0 : i32
      %dma_wait3A_105 = arith.constant 0 : i32
      %dma_wait3A_106 = arith.constant 0 : i32
      %dma_wait3A_107 = arith.constant 0 : i32
      %dma_wait3A_108 = arith.constant 0 : i32
      %dma_wait3A_109 = tpu.memref_slice %arg10[%dma_wait3A_106, %dma_wait3A_107, %dma_wait3A_108] : memref<2x128x128xf32, #tpu.memory_space<vmem>> -> memref<1x128x128xf32, #tpu.memory_space<vmem>>
      %dma_wait3A_110 = tpu.memref_squeeze %dma_wait3A_109 : memref<1x128x128xf32, #tpu.memory_space<vmem>> -> memref<128x128xf32, #tpu.memory_space<vmem>>
      %dma_wait3A_111 = arith.constant 0 : i32
      %dma_wait3A_112 = tpu.memref_slice %arg9[%dma_wait3A_104, %dma_wait3A_105, %dma_wait3A_111] : memref<2x8x128xi32, #tpu.memory_space<vmem>> -> memref<1x1x128xi32, #tpu.memory_space<vmem>>
      %dma_wait3A_113 = tpu.memref_squeeze %dma_wait3A_112 : memref<1x1x128xi32, #tpu.memory_space<vmem>> -> memref<128xi32, #tpu.memory_space<vmem>>
      %dma_wait3A_114 = arith.constant 0 : i32
      %dma_wait3A_115 = arith.constant 0 : i32
      %dma_wait3A_116 = tpu.memref_slice %arg2[%dma_wait3A_114, %dma_wait3A_115] : memref<20000x128xf32, #tpu.memory_space<hbm>> -> memref<20000x128xf32, #tpu.memory_space<hbm>>
      tpu.wait_indirect_dma semaphore(%arg11 : memref<!tpu.dma_semaphore, #tpu.memory_space<semaphore_mem>>) src(%dma_wait3A_116 : memref<20000x128xf32, #tpu.memory_space<hbm>>) dst(%dma_wait3A_110 : memref<128x128xf32, #tpu.memory_space<vmem>>)
      %gt3A = arith.constant 0 : i32
      %gt3A_117 = arith.cmpi sgt, %add3A_98, %gt3A : i32
      %convert_element_type3A = arith.extui %gt3A_117 : i1 to i32
      %cond3A = arith.constant 0 : i32
      %cond3A_118 = arith.cmpi ne, %convert_element_type3A, %cond3A : i32
      scf.if %cond3A_118 {
        %dma_wait3A_487 = arith.constant 1 : i32
        %dma_wait3A_488 = arith.constant 0 : i32
        %dma_wait3A_489 = arith.constant 0 : i32
        %dma_wait3A_490 = arith.constant 0 : i32
        %dma_wait3A_491 = arith.constant 0 : i32
        %dma_wait3A_492 = tpu.memref_slice %arg10[%dma_wait3A_487, %dma_wait3A_490, %dma_wait3A_491] : memref<2x128x128xf32, #tpu.memory_space<vmem>> -> memref<1x128x128xf32, #tpu.memory_space<vmem>>
        %dma_wait3A_493 = tpu.memref_squeeze %dma_wait3A_492 : memref<1x128x128xf32, #tpu.memory_space<vmem>> -> memref<128x128xf32, #tpu.memory_space<vmem>>
        %dma_wait3A_494 = arith.constant 0 : i32
        %dma_wait3A_495 = tpu.memref_slice %arg8[%dma_wait3A_488, %dma_wait3A_489, %dma_wait3A_494] : memref<2x8x128xi32, #tpu.memory_space<vmem>> -> memref<1x1x128xi32, #tpu.memory_space<vmem>>
        %dma_wait3A_496 = tpu.memref_squeeze %dma_wait3A_495 : memref<1x1x128xi32, #tpu.memory_space<vmem>> -> memref<128xi32, #tpu.memory_space<vmem>>
        %dma_wait3A_497 = arith.constant 0 : i32
        %dma_wait3A_498 = arith.constant 0 : i32
        %dma_wait3A_499 = tpu.memref_slice %arg7[%dma_wait3A_497, %dma_wait3A_498] : memref<10112x128xf32, #tpu.memory_space<vmem_shared>> -> memref<10112x128xf32, #tpu.memory_space<vmem_shared>>
        tpu.wait_indirect_dma semaphore(%arg12 : memref<!tpu.dma_semaphore, #tpu.memory_space<semaphore_mem>>) src(%dma_wait3A_493 : memref<128x128xf32, #tpu.memory_space<vmem>>) dst(%dma_wait3A_499 : memref<10112x128xf32, #tpu.memory_space<vmem_shared>>)
      } else {
      }
      %convert_element_type3A_119 = arith.extui %lt3A_103 : i1 to i32
      %cond3A_120 = arith.constant 0 : i32
      %cond3A_121 = arith.cmpi ne, %convert_element_type3A_119, %cond3A_120 : i32
      scf.if %cond3A_121 {
        %add3A_487 = arith.constant 1 : i32
        %add3A_488 = arith.addi %add3A_98, %add3A_487 : i32
        %mul3A_489 = arith.constant 8 : i32
        %mul3A_490 = arith.muli %add3A_488, %mul3A_489 : i32
        %add3A_491 = arith.addi %add3A, %mul3A_490 : i32
        %dma_start3A_492 = arith.constant 0 : i32
        %dma_start3A_493 = arith.constant 0 : i32
        %dma_start3A_494 = tpu.memref_slice %arg9[%sub3A_100, %dma_start3A_492, %dma_start3A_493] : memref<2x8x128xi32, #tpu.memory_space<vmem>> -> memref<1x8x128xi32, #tpu.memory_space<vmem>>
        %dma_start3A_495 = tpu.memref_squeeze %dma_start3A_494 : memref<1x8x128xi32, #tpu.memory_space<vmem>> -> memref<8x128xi32, #tpu.memory_space<vmem>>
        %dma_start3A_496 = arith.constant 0 : i32
        %dma_start3A_497 = tpu.memref_slice %arg3[%add3A_491, %dma_start3A_496] : memref<2560x128xi32, #tpu.memory_space<hbm>> -> memref<8x128xi32, #tpu.memory_space<hbm>>
        %dma_start3A_498 = arith.constant 0 : i32
        %dma_start3A_499 = arith.constant 0 : i32
        %dma_start3A_500 = tpu.memref_slice %arg9[%sub3A_100, %dma_start3A_498, %dma_start3A_499] : memref<2x8x128xi32, #tpu.memory_space<vmem>> -> memref<1x8x128xi32, #tpu.memory_space<vmem>>
        %dma_start3A_501 = tpu.memref_squeeze %dma_start3A_500 : memref<1x8x128xi32, #tpu.memory_space<vmem>> -> memref<8x128xi32, #tpu.memory_space<vmem>>
        %dma_start3A_502 = arith.constant 0 : i32
        %dma_start3A_503 = tpu.memref_slice %arg3[%add3A_491, %dma_start3A_502] : memref<2560x128xi32, #tpu.memory_space<hbm>> -> memref<8x128xi32, #tpu.memory_space<hbm>>
        tpu.enqueue_dma source(%dma_start3A_503 : memref<8x128xi32, #tpu.memory_space<hbm>>) target(%dma_start3A_501 : memref<8x128xi32, #tpu.memory_space<vmem>>) target_semaphore(%arg13 : memref<!tpu.dma_semaphore, #tpu.memory_space<semaphore_mem>>)
        %mul3A_504 = arith.constant 8 : i32
        %mul3A_505 = arith.muli %add3A_488, %mul3A_504 : i32
        %add3A_506 = arith.addi %mul3A_2, %mul3A_505 : i32
        %dma_start3A_507 = arith.constant 0 : i32
        %dma_start3A_508 = arith.constant 0 : i32
        %dma_start3A_509 = tpu.memref_slice %arg8[%sub3A_100, %dma_start3A_507, %dma_start3A_508] : memref<2x8x128xi32, #tpu.memory_space<vmem>> -> memref<1x8x128xi32, #tpu.memory_space<vmem>>
        %dma_start3A_510 = tpu.memref_squeeze %dma_start3A_509 : memref<1x8x128xi32, #tpu.memory_space<vmem>> -> memref<8x128xi32, #tpu.memory_space<vmem>>
        %dma_start3A_511 = arith.constant 0 : i32
        %dma_start3A_512 = tpu.memref_slice %arg4[%add3A_506, %dma_start3A_511] : memref<1280x128xi32, #tpu.memory_space<hbm>> -> memref<8x128xi32, #tpu.memory_space<hbm>>
        %dma_start3A_513 = arith.constant 0 : i32
        %dma_start3A_514 = arith.constant 0 : i32
        %dma_start3A_515 = tpu.memref_slice %arg8[%sub3A_100, %dma_start3A_513, %dma_start3A_514] : memref<2x8x128xi32, #tpu.memory_space<vmem>> -> memref<1x8x128xi32, #tpu.memory_space<vmem>>
        %dma_start3A_516 = tpu.memref_squeeze %dma_start3A_515 : memref<1x8x128xi32, #tpu.memory_space<vmem>> -> memref<8x128xi32, #tpu.memory_space<vmem>>
        %dma_start3A_517 = arith.constant 0 : i32
        %dma_start3A_518 = tpu.memref_slice %arg4[%add3A_506, %dma_start3A_517] : memref<1280x128xi32, #tpu.memory_space<hbm>> -> memref<8x128xi32, #tpu.memory_space<hbm>>
        tpu.enqueue_dma source(%dma_start3A_518 : memref<8x128xi32, #tpu.memory_space<hbm>>) target(%dma_start3A_516 : memref<8x128xi32, #tpu.memory_space<vmem>>) target_semaphore(%arg13 : memref<!tpu.dma_semaphore, #tpu.memory_space<semaphore_mem>>)
      } else {
      }
      %dma_start3A_122 = arith.constant 1 : i32
      %dma_start3A_123 = arith.constant 1 : i32
      %dma_start3A_124 = arith.constant 0 : i32
      %dma_start3A_125 = arith.constant 0 : i32
      %dma_start3A_126 = tpu.memref_slice %arg10[%dma_start3A_123, %dma_start3A_124, %dma_start3A_125] : memref<2x128x128xf32, #tpu.memory_space<vmem>> -> memref<1x128x128xf32, #tpu.memory_space<vmem>>
      %dma_start3A_127 = tpu.memref_squeeze %dma_start3A_126 : memref<1x128x128xf32, #tpu.memory_space<vmem>> -> memref<128x128xf32, #tpu.memory_space<vmem>>
      %dma_start3A_128 = arith.constant 0 : i32
      %dma_start3A_129 = tpu.memref_slice %arg9[%rem3A_99, %dma_start3A_122, %dma_start3A_128] : memref<2x8x128xi32, #tpu.memory_space<vmem>> -> memref<1x1x128xi32, #tpu.memory_space<vmem>>
      %dma_start3A_130 = tpu.memref_squeeze %dma_start3A_129 : memref<1x1x128xi32, #tpu.memory_space<vmem>> -> memref<128xi32, #tpu.memory_space<vmem>>
      %dma_start3A_131 = arith.constant 0 : i32
      %dma_start3A_132 = arith.constant 0 : i32
      %dma_start3A_133 = tpu.memref_slice %arg2[%dma_start3A_131, %dma_start3A_132] : memref<20000x128xf32, #tpu.memory_space<hbm>> -> memref<20000x128xf32, #tpu.memory_space<hbm>>
      tpu.enqueue_indirect_dma source(%dma_start3A_133 : memref<20000x128xf32, #tpu.memory_space<hbm>>) target(%dma_start3A_127 : memref<128x128xf32, #tpu.memory_space<vmem>>) offsets(%dma_start3A_130 : memref<128xi32, #tpu.memory_space<vmem>>) semaphore(%arg11 : memref<!tpu.dma_semaphore, #tpu.memory_space<semaphore_mem>>)
      %dma_start3A_134 = arith.constant 0 : i32
      %dma_start3A_135 = arith.constant 0 : i32
      %dma_start3A_136 = arith.constant 0 : i32
      %dma_start3A_137 = arith.constant 0 : i32
      %dma_start3A_138 = tpu.memref_slice %arg10[%dma_start3A_134, %dma_start3A_136, %dma_start3A_137] : memref<2x128x128xf32, #tpu.memory_space<vmem>> -> memref<1x128x128xf32, #tpu.memory_space<vmem>>
      %dma_start3A_139 = tpu.memref_squeeze %dma_start3A_138 : memref<1x128x128xf32, #tpu.memory_space<vmem>> -> memref<128x128xf32, #tpu.memory_space<vmem>>
      %dma_start3A_140 = arith.constant 0 : i32
      %dma_start3A_141 = tpu.memref_slice %arg8[%rem3A_99, %dma_start3A_135, %dma_start3A_140] : memref<2x8x128xi32, #tpu.memory_space<vmem>> -> memref<1x1x128xi32, #tpu.memory_space<vmem>>
      %dma_start3A_142 = tpu.memref_squeeze %dma_start3A_141 : memref<1x1x128xi32, #tpu.memory_space<vmem>> -> memref<128xi32, #tpu.memory_space<vmem>>
      %dma_start3A_143 = arith.constant 0 : i32
      %dma_start3A_144 = arith.constant 0 : i32
      %dma_start3A_145 = tpu.memref_slice %arg7[%dma_start3A_143, %dma_start3A_144] : memref<10112x128xf32, #tpu.memory_space<vmem_shared>> -> memref<10112x128xf32, #tpu.memory_space<vmem_shared>>
      tpu.enqueue_indirect_dma source(%dma_start3A_139 : memref<128x128xf32, #tpu.memory_space<vmem>>) target(%dma_start3A_145 : memref<10112x128xf32, #tpu.memory_space<vmem_shared>>) offsets(%dma_start3A_142 : memref<128xi32, #tpu.memory_space<vmem>>) semaphore(%arg12 : memref<!tpu.dma_semaphore, #tpu.memory_space<semaphore_mem>>) {add = true}
      %dma_wait3A_146 = arith.constant 0 : i32
      %dma_wait3A_147 = arith.constant 0 : i32
      %dma_wait3A_148 = arith.constant 1 : i32
      %dma_wait3A_149 = arith.constant 0 : i32
      %dma_wait3A_150 = arith.constant 0 : i32
      %dma_wait3A_151 = tpu.memref_slice %arg10[%dma_wait3A_148, %dma_wait3A_149, %dma_wait3A_150] : memref<2x128x128xf32, #tpu.memory_space<vmem>> -> memref<1x128x128xf32, #tpu.memory_space<vmem>>
      %dma_wait3A_152 = tpu.memref_squeeze %dma_wait3A_151 : memref<1x128x128xf32, #tpu.memory_space<vmem>> -> memref<128x128xf32, #tpu.memory_space<vmem>>
      %dma_wait3A_153 = arith.constant 0 : i32
      %dma_wait3A_154 = tpu.memref_slice %arg9[%dma_wait3A_146, %dma_wait3A_147, %dma_wait3A_153] : memref<2x8x128xi32, #tpu.memory_space<vmem>> -> memref<1x1x128xi32, #tpu.memory_space<vmem>>
      %dma_wait3A_155 = tpu.memref_squeeze %dma_wait3A_154 : memref<1x1x128xi32, #tpu.memory_space<vmem>> -> memref<128xi32, #tpu.memory_space<vmem>>
      %dma_wait3A_156 = arith.constant 0 : i32
      %dma_wait3A_157 = arith.constant 0 : i32
      %dma_wait3A_158 = tpu.memref_slice %arg2[%dma_wait3A_156, %dma_wait3A_157] : memref<20000x128xf32, #tpu.memory_space<hbm>> -> memref<20000x128xf32, #tpu.memory_space<hbm>>
      tpu.wait_indirect_dma semaphore(%arg11 : memref<!tpu.dma_semaphore, #tpu.memory_space<semaphore_mem>>) src(%dma_wait3A_158 : memref<20000x128xf32, #tpu.memory_space<hbm>>) dst(%dma_wait3A_152 : memref<128x128xf32, #tpu.memory_space<vmem>>)
      %dma_wait3A_159 = arith.constant 0 : i32
      %dma_wait3A_160 = arith.constant 0 : i32
      %dma_wait3A_161 = arith.constant 0 : i32
      %dma_wait3A_162 = arith.constant 0 : i32
      %dma_wait3A_163 = arith.constant 0 : i32
      %dma_wait3A_164 = tpu.memref_slice %arg10[%dma_wait3A_159, %dma_wait3A_162, %dma_wait3A_163] : memref<2x128x128xf32, #tpu.memory_space<vmem>> -> memref<1x128x128xf32, #tpu.memory_space<vmem>>
      %dma_wait3A_165 = tpu.memref_squeeze %dma_wait3A_164 : memref<1x128x128xf32, #tpu.memory_space<vmem>> -> memref<128x128xf32, #tpu.memory_space<vmem>>
      %dma_wait3A_166 = arith.constant 0 : i32
      %dma_wait3A_167 = tpu.memref_slice %arg8[%dma_wait3A_160, %dma_wait3A_161, %dma_wait3A_166] : memref<2x8x128xi32, #tpu.memory_space<vmem>> -> memref<1x1x128xi32, #tpu.memory_space<vmem>>
      %dma_wait3A_168 = tpu.memref_squeeze %dma_wait3A_167 : memref<1x1x128xi32, #tpu.memory_space<vmem>> -> memref<128xi32, #tpu.memory_space<vmem>>
      %dma_wait3A_169 = arith.constant 0 : i32
      %dma_wait3A_170 = arith.constant 0 : i32
      %dma_wait3A_171 = tpu.memref_slice %arg7[%dma_wait3A_169, %dma_wait3A_170] : memref<10112x128xf32, #tpu.memory_space<vmem_shared>> -> memref<10112x128xf32, #tpu.memory_space<vmem_shared>>
      tpu.wait_indirect_dma semaphore(%arg12 : memref<!tpu.dma_semaphore, #tpu.memory_space<semaphore_mem>>) src(%dma_wait3A_165 : memref<128x128xf32, #tpu.memory_space<vmem>>) dst(%dma_wait3A_171 : memref<10112x128xf32, #tpu.memory_space<vmem_shared>>)
      %dma_start3A_172 = arith.constant 2 : i32
      %dma_start3A_173 = arith.constant 0 : i32
      %dma_start3A_174 = arith.constant 0 : i32
      %dma_start3A_175 = arith.constant 0 : i32
      %dma_start3A_176 = tpu.memref_slice %arg10[%dma_start3A_173, %dma_start3A_174, %dma_start3A_175] : memref<2x128x128xf32, #tpu.memory_space<vmem>> -> memref<1x128x128xf32, #tpu.memory_space<vmem>>
      %dma_start3A_177 = tpu.memref_squeeze %dma_start3A_176 : memref<1x128x128xf32, #tpu.memory_space<vmem>> -> memref<128x128xf32, #tpu.memory_space<vmem>>
      %dma_start3A_178 = arith.constant 0 : i32
      %dma_start3A_179 = tpu.memref_slice %arg9[%rem3A_99, %dma_start3A_172, %dma_start3A_178] : memref<2x8x128xi32, #tpu.memory_space<vmem>> -> memref<1x1x128xi32, #tpu.memory_space<vmem>>
      %dma_start3A_180 = tpu.memref_squeeze %dma_start3A_179 : memref<1x1x128xi32, #tpu.memory_space<vmem>> -> memref<128xi32, #tpu.memory_space<vmem>>
      %dma_start3A_181 = arith.constant 0 : i32
      %dma_start3A_182 = arith.constant 0 : i32
      %dma_start3A_183 = tpu.memref_slice %arg2[%dma_start3A_181, %dma_start3A_182] : memref<20000x128xf32, #tpu.memory_space<hbm>> -> memref<20000x128xf32, #tpu.memory_space<hbm>>
      tpu.enqueue_indirect_dma source(%dma_start3A_183 : memref<20000x128xf32, #tpu.memory_space<hbm>>) target(%dma_start3A_177 : memref<128x128xf32, #tpu.memory_space<vmem>>) offsets(%dma_start3A_180 : memref<128xi32, #tpu.memory_space<vmem>>) semaphore(%arg11 : memref<!tpu.dma_semaphore, #tpu.memory_space<semaphore_mem>>)
      %dma_start3A_184 = arith.constant 1 : i32
      %dma_start3A_185 = arith.constant 1 : i32
      %dma_start3A_186 = arith.constant 0 : i32
      %dma_start3A_187 = arith.constant 0 : i32
      %dma_start3A_188 = tpu.memref_slice %arg10[%dma_start3A_184, %dma_start3A_186, %dma_start3A_187] : memref<2x128x128xf32, #tpu.memory_space<vmem>> -> memref<1x128x128xf32, #tpu.memory_space<vmem>>
      %dma_start3A_189 = tpu.memref_squeeze %dma_start3A_188 : memref<1x128x128xf32, #tpu.memory_space<vmem>> -> memref<128x128xf32, #tpu.memory_space<vmem>>
      %dma_start3A_190 = arith.constant 0 : i32
      %dma_start3A_191 = tpu.memref_slice %arg8[%rem3A_99, %dma_start3A_185, %dma_start3A_190] : memref<2x8x128xi32, #tpu.memory_space<vmem>> -> memref<1x1x128xi32, #tpu.memory_space<vmem>>
      %dma_start3A_192 = tpu.memref_squeeze %dma_start3A_191 : memref<1x1x128xi32, #tpu.memory_space<vmem>> -> memref<128xi32, #tpu.memory_space<vmem>>
      %dma_start3A_193 = arith.constant 0 : i32
      %dma_start3A_194 = arith.constant 0 : i32
      %dma_start3A_195 = tpu.memref_slice %arg7[%dma_start3A_193, %dma_start3A_194] : memref<10112x128xf32, #tpu.memory_space<vmem_shared>> -> memref<10112x128xf32, #tpu.memory_space<vmem_shared>>
      tpu.enqueue_indirect_dma source(%dma_start3A_189 : memref<128x128xf32, #tpu.memory_space<vmem>>) target(%dma_start3A_195 : memref<10112x128xf32, #tpu.memory_space<vmem_shared>>) offsets(%dma_start3A_192 : memref<128xi32, #tpu.memory_space<vmem>>) semaphore(%arg12 : memref<!tpu.dma_semaphore, #tpu.memory_space<semaphore_mem>>) {add = true}
      %dma_wait3A_196 = arith.constant 0 : i32
      %dma_wait3A_197 = arith.constant 0 : i32
      %dma_wait3A_198 = arith.constant 0 : i32
      %dma_wait3A_199 = arith.constant 0 : i32
      %dma_wait3A_200 = arith.constant 0 : i32
      %dma_wait3A_201 = tpu.memref_slice %arg10[%dma_wait3A_198, %dma_wait3A_199, %dma_wait3A_200] : memref<2x128x128xf32, #tpu.memory_space<vmem>> -> memref<1x128x128xf32, #tpu.memory_space<vmem>>
      %dma_wait3A_202 = tpu.memref_squeeze %dma_wait3A_201 : memref<1x128x128xf32, #tpu.memory_space<vmem>> -> memref<128x128xf32, #tpu.memory_space<vmem>>
      %dma_wait3A_203 = arith.constant 0 : i32
      %dma_wait3A_204 = tpu.memref_slice %arg9[%dma_wait3A_196, %dma_wait3A_197, %dma_wait3A_203] : memref<2x8x128xi32, #tpu.memory_space<vmem>> -> memref<1x1x128xi32, #tpu.memory_space<vmem>>
      %dma_wait3A_205 = tpu.memref_squeeze %dma_wait3A_204 : memref<1x1x128xi32, #tpu.memory_space<vmem>> -> memref<128xi32, #tpu.memory_space<vmem>>
      %dma_wait3A_206 = arith.constant 0 : i32
      %dma_wait3A_207 = arith.constant 0 : i32
      %dma_wait3A_208 = tpu.memref_slice %arg2[%dma_wait3A_206, %dma_wait3A_207] : memref<20000x128xf32, #tpu.memory_space<hbm>> -> memref<20000x128xf32, #tpu.memory_space<hbm>>
      tpu.wait_indirect_dma semaphore(%arg11 : memref<!tpu.dma_semaphore, #tpu.memory_space<semaphore_mem>>) src(%dma_wait3A_208 : memref<20000x128xf32, #tpu.memory_space<hbm>>) dst(%dma_wait3A_202 : memref<128x128xf32, #tpu.memory_space<vmem>>)
      %dma_wait3A_209 = arith.constant 1 : i32
      %dma_wait3A_210 = arith.constant 0 : i32
      %dma_wait3A_211 = arith.constant 0 : i32
      %dma_wait3A_212 = arith.constant 0 : i32
      %dma_wait3A_213 = arith.constant 0 : i32
      %dma_wait3A_214 = tpu.memref_slice %arg10[%dma_wait3A_209, %dma_wait3A_212, %dma_wait3A_213] : memref<2x128x128xf32, #tpu.memory_space<vmem>> -> memref<1x128x128xf32, #tpu.memory_space<vmem>>
      %dma_wait3A_215 = tpu.memref_squeeze %dma_wait3A_214 : memref<1x128x128xf32, #tpu.memory_space<vmem>> -> memref<128x128xf32, #tpu.memory_space<vmem>>
      %dma_wait3A_216 = arith.constant 0 : i32
      %dma_wait3A_217 = tpu.memref_slice %arg8[%dma_wait3A_210, %dma_wait3A_211, %dma_wait3A_216] : memref<2x8x128xi32, #tpu.memory_space<vmem>> -> memref<1x1x128xi32, #tpu.memory_space<vmem>>
      %dma_wait3A_218 = tpu.memref_squeeze %dma_wait3A_217 : memref<1x1x128xi32, #tpu.memory_space<vmem>> -> memref<128xi32, #tpu.memory_space<vmem>>
      %dma_wait3A_219 = arith.constant 0 : i32
      %dma_wait3A_220 = arith.constant 0 : i32
      %dma_wait3A_221 = tpu.memref_slice %arg7[%dma_wait3A_219, %dma_wait3A_220] : memref<10112x128xf32, #tpu.memory_space<vmem_shared>> -> memref<10112x128xf32, #tpu.memory_space<vmem_shared>>
      tpu.wait_indirect_dma semaphore(%arg12 : memref<!tpu.dma_semaphore, #tpu.memory_space<semaphore_mem>>) src(%dma_wait3A_215 : memref<128x128xf32, #tpu.memory_space<vmem>>) dst(%dma_wait3A_221 : memref<10112x128xf32, #tpu.memory_space<vmem_shared>>)
      %dma_start3A_222 = arith.constant 3 : i32
      %dma_start3A_223 = arith.constant 1 : i32
      %dma_start3A_224 = arith.constant 0 : i32
      %dma_start3A_225 = arith.constant 0 : i32
      %dma_start3A_226 = tpu.memref_slice %arg10[%dma_start3A_223, %dma_start3A_224, %dma_start3A_225] : memref<2x128x128xf32, #tpu.memory_space<vmem>> -> memref<1x128x128xf32, #tpu.memory_space<vmem>>
      %dma_start3A_227 = tpu.memref_squeeze %dma_start3A_226 : memref<1x128x128xf32, #tpu.memory_space<vmem>> -> memref<128x128xf32, #tpu.memory_space<vmem>>
      %dma_start3A_228 = arith.constant 0 : i32
      %dma_start3A_229 = tpu.memref_slice %arg9[%rem3A_99, %dma_start3A_222, %dma_start3A_228] : memref<2x8x128xi32, #tpu.memory_space<vmem>> -> memref<1x1x128xi32, #tpu.memory_space<vmem>>
      %dma_start3A_230 = tpu.memref_squeeze %dma_start3A_229 : memref<1x1x128xi32, #tpu.memory_space<vmem>> -> memref<128xi32, #tpu.memory_space<vmem>>
      %dma_start3A_231 = arith.constant 0 : i32
      %dma_start3A_232 = arith.constant 0 : i32
      %dma_start3A_233 = tpu.memref_slice %arg2[%dma_start3A_231, %dma_start3A_232] : memref<20000x128xf32, #tpu.memory_space<hbm>> -> memref<20000x128xf32, #tpu.memory_space<hbm>>
      tpu.enqueue_indirect_dma source(%dma_start3A_233 : memref<20000x128xf32, #tpu.memory_space<hbm>>) target(%dma_start3A_227 : memref<128x128xf32, #tpu.memory_space<vmem>>) offsets(%dma_start3A_230 : memref<128xi32, #tpu.memory_space<vmem>>) semaphore(%arg11 : memref<!tpu.dma_semaphore, #tpu.memory_space<semaphore_mem>>)
      %dma_start3A_234 = arith.constant 0 : i32
      %dma_start3A_235 = arith.constant 2 : i32
      %dma_start3A_236 = arith.constant 0 : i32
      %dma_start3A_237 = arith.constant 0 : i32
      %dma_start3A_238 = tpu.memref_slice %arg10[%dma_start3A_234, %dma_start3A_236, %dma_start3A_237] : memref<2x128x128xf32, #tpu.memory_space<vmem>> -> memref<1x128x128xf32, #tpu.memory_space<vmem>>
      %dma_start3A_239 = tpu.memref_squeeze %dma_start3A_238 : memref<1x128x128xf32, #tpu.memory_space<vmem>> -> memref<128x128xf32, #tpu.memory_space<vmem>>
      %dma_start3A_240 = arith.constant 0 : i32
      %dma_start3A_241 = tpu.memref_slice %arg8[%rem3A_99, %dma_start3A_235, %dma_start3A_240] : memref<2x8x128xi32, #tpu.memory_space<vmem>> -> memref<1x1x128xi32, #tpu.memory_space<vmem>>
      %dma_start3A_242 = tpu.memref_squeeze %dma_start3A_241 : memref<1x1x128xi32, #tpu.memory_space<vmem>> -> memref<128xi32, #tpu.memory_space<vmem>>
      %dma_start3A_243 = arith.constant 0 : i32
      %dma_start3A_244 = arith.constant 0 : i32
      %dma_start3A_245 = tpu.memref_slice %arg7[%dma_start3A_243, %dma_start3A_244] : memref<10112x128xf32, #tpu.memory_space<vmem_shared>> -> memref<10112x128xf32, #tpu.memory_space<vmem_shared>>
      tpu.enqueue_indirect_dma source(%dma_start3A_239 : memref<128x128xf32, #tpu.memory_space<vmem>>) target(%dma_start3A_245 : memref<10112x128xf32, #tpu.memory_space<vmem_shared>>) offsets(%dma_start3A_242 : memref<128xi32, #tpu.memory_space<vmem>>) semaphore(%arg12 : memref<!tpu.dma_semaphore, #tpu.memory_space<semaphore_mem>>) {add = true}
      %dma_wait3A_246 = arith.constant 0 : i32
      %dma_wait3A_247 = arith.constant 0 : i32
      %dma_wait3A_248 = arith.constant 1 : i32
      %dma_wait3A_249 = arith.constant 0 : i32
      %dma_wait3A_250 = arith.constant 0 : i32
      %dma_wait3A_251 = tpu.memref_slice %arg10[%dma_wait3A_248, %dma_wait3A_249, %dma_wait3A_250] : memref<2x128x128xf32, #tpu.memory_space<vmem>> -> memref<1x128x128xf32, #tpu.memory_space<vmem>>
      %dma_wait3A_252 = tpu.memref_squeeze %dma_wait3A_251 : memref<1x128x128xf32, #tpu.memory_space<vmem>> -> memref<128x128xf32, #tpu.memory_space<vmem>>
      %dma_wait3A_253 = arith.constant 0 : i32
      %dma_wait3A_254 = tpu.memref_slice %arg9[%dma_wait3A_246, %dma_wait3A_247, %dma_wait3A_253] : memref<2x8x128xi32, #tpu.memory_space<vmem>> -> memref<1x1x128xi32, #tpu.memory_space<vmem>>
      %dma_wait3A_255 = tpu.memref_squeeze %dma_wait3A_254 : memref<1x1x128xi32, #tpu.memory_space<vmem>> -> memref<128xi32, #tpu.memory_space<vmem>>
      %dma_wait3A_256 = arith.constant 0 : i32
      %dma_wait3A_257 = arith.constant 0 : i32
      %dma_wait3A_258 = tpu.memref_slice %arg2[%dma_wait3A_256, %dma_wait3A_257] : memref<20000x128xf32, #tpu.memory_space<hbm>> -> memref<20000x128xf32, #tpu.memory_space<hbm>>
      tpu.wait_indirect_dma semaphore(%arg11 : memref<!tpu.dma_semaphore, #tpu.memory_space<semaphore_mem>>) src(%dma_wait3A_258 : memref<20000x128xf32, #tpu.memory_space<hbm>>) dst(%dma_wait3A_252 : memref<128x128xf32, #tpu.memory_space<vmem>>)
      %dma_wait3A_259 = arith.constant 0 : i32
      %dma_wait3A_260 = arith.constant 0 : i32
      %dma_wait3A_261 = arith.constant 0 : i32
      %dma_wait3A_262 = arith.constant 0 : i32
      %dma_wait3A_263 = arith.constant 0 : i32
      %dma_wait3A_264 = tpu.memref_slice %arg10[%dma_wait3A_259, %dma_wait3A_262, %dma_wait3A_263] : memref<2x128x128xf32, #tpu.memory_space<vmem>> -> memref<1x128x128xf32, #tpu.memory_space<vmem>>
      %dma_wait3A_265 = tpu.memref_squeeze %dma_wait3A_264 : memref<1x128x128xf32, #tpu.memory_space<vmem>> -> memref<128x128xf32, #tpu.memory_space<vmem>>
      %dma_wait3A_266 = arith.constant 0 : i32
      %dma_wait3A_267 = tpu.memref_slice %arg8[%dma_wait3A_260, %dma_wait3A_261, %dma_wait3A_266] : memref<2x8x128xi32, #tpu.memory_space<vmem>> -> memref<1x1x128xi32, #tpu.memory_space<vmem>>
      %dma_wait3A_268 = tpu.memref_squeeze %dma_wait3A_267 : memref<1x1x128xi32, #tpu.memory_space<vmem>> -> memref<128xi32, #tpu.memory_space<vmem>>
      %dma_wait3A_269 = arith.constant 0 : i32
      %dma_wait3A_270 = arith.constant 0 : i32
      %dma_wait3A_271 = tpu.memref_slice %arg7[%dma_wait3A_269, %dma_wait3A_270] : memref<10112x128xf32, #tpu.memory_space<vmem_shared>> -> memref<10112x128xf32, #tpu.memory_space<vmem_shared>>
      tpu.wait_indirect_dma semaphore(%arg12 : memref<!tpu.dma_semaphore, #tpu.memory_space<semaphore_mem>>) src(%dma_wait3A_265 : memref<128x128xf32, #tpu.memory_space<vmem>>) dst(%dma_wait3A_271 : memref<10112x128xf32, #tpu.memory_space<vmem_shared>>)
      %dma_start3A_272 = arith.constant 4 : i32
      %dma_start3A_273 = arith.constant 0 : i32
      %dma_start3A_274 = arith.constant 0 : i32
      %dma_start3A_275 = arith.constant 0 : i32
      %dma_start3A_276 = tpu.memref_slice %arg10[%dma_start3A_273, %dma_start3A_274, %dma_start3A_275] : memref<2x128x128xf32, #tpu.memory_space<vmem>> -> memref<1x128x128xf32, #tpu.memory_space<vmem>>
      %dma_start3A_277 = tpu.memref_squeeze %dma_start3A_276 : memref<1x128x128xf32, #tpu.memory_space<vmem>> -> memref<128x128xf32, #tpu.memory_space<vmem>>
      %dma_start3A_278 = arith.constant 0 : i32
      %dma_start3A_279 = tpu.memref_slice %arg9[%rem3A_99, %dma_start3A_272, %dma_start3A_278] : memref<2x8x128xi32, #tpu.memory_space<vmem>> -> memref<1x1x128xi32, #tpu.memory_space<vmem>>
      %dma_start3A_280 = tpu.memref_squeeze %dma_start3A_279 : memref<1x1x128xi32, #tpu.memory_space<vmem>> -> memref<128xi32, #tpu.memory_space<vmem>>
      %dma_start3A_281 = arith.constant 0 : i32
      %dma_start3A_282 = arith.constant 0 : i32
      %dma_start3A_283 = tpu.memref_slice %arg2[%dma_start3A_281, %dma_start3A_282] : memref<20000x128xf32, #tpu.memory_space<hbm>> -> memref<20000x128xf32, #tpu.memory_space<hbm>>
      tpu.enqueue_indirect_dma source(%dma_start3A_283 : memref<20000x128xf32, #tpu.memory_space<hbm>>) target(%dma_start3A_277 : memref<128x128xf32, #tpu.memory_space<vmem>>) offsets(%dma_start3A_280 : memref<128xi32, #tpu.memory_space<vmem>>) semaphore(%arg11 : memref<!tpu.dma_semaphore, #tpu.memory_space<semaphore_mem>>)
      %dma_start3A_284 = arith.constant 1 : i32
      %dma_start3A_285 = arith.constant 3 : i32
      %dma_start3A_286 = arith.constant 0 : i32
      %dma_start3A_287 = arith.constant 0 : i32
      %dma_start3A_288 = tpu.memref_slice %arg10[%dma_start3A_284, %dma_start3A_286, %dma_start3A_287] : memref<2x128x128xf32, #tpu.memory_space<vmem>> -> memref<1x128x128xf32, #tpu.memory_space<vmem>>
      %dma_start3A_289 = tpu.memref_squeeze %dma_start3A_288 : memref<1x128x128xf32, #tpu.memory_space<vmem>> -> memref<128x128xf32, #tpu.memory_space<vmem>>
      %dma_start3A_290 = arith.constant 0 : i32
      %dma_start3A_291 = tpu.memref_slice %arg8[%rem3A_99, %dma_start3A_285, %dma_start3A_290] : memref<2x8x128xi32, #tpu.memory_space<vmem>> -> memref<1x1x128xi32, #tpu.memory_space<vmem>>
      %dma_start3A_292 = tpu.memref_squeeze %dma_start3A_291 : memref<1x1x128xi32, #tpu.memory_space<vmem>> -> memref<128xi32, #tpu.memory_space<vmem>>
      %dma_start3A_293 = arith.constant 0 : i32
      %dma_start3A_294 = arith.constant 0 : i32
      %dma_start3A_295 = tpu.memref_slice %arg7[%dma_start3A_293, %dma_start3A_294] : memref<10112x128xf32, #tpu.memory_space<vmem_shared>> -> memref<10112x128xf32, #tpu.memory_space<vmem_shared>>
      tpu.enqueue_indirect_dma source(%dma_start3A_289 : memref<128x128xf32, #tpu.memory_space<vmem>>) target(%dma_start3A_295 : memref<10112x128xf32, #tpu.memory_space<vmem_shared>>) offsets(%dma_start3A_292 : memref<128xi32, #tpu.memory_space<vmem>>) semaphore(%arg12 : memref<!tpu.dma_semaphore, #tpu.memory_space<semaphore_mem>>) {add = true}
      %dma_wait3A_296 = arith.constant 0 : i32
      %dma_wait3A_297 = arith.constant 0 : i32
      %dma_wait3A_298 = arith.constant 0 : i32
      %dma_wait3A_299 = arith.constant 0 : i32
      %dma_wait3A_300 = arith.constant 0 : i32
      %dma_wait3A_301 = tpu.memref_slice %arg10[%dma_wait3A_298, %dma_wait3A_299, %dma_wait3A_300] : memref<2x128x128xf32, #tpu.memory_space<vmem>> -> memref<1x128x128xf32, #tpu.memory_space<vmem>>
      %dma_wait3A_302 = tpu.memref_squeeze %dma_wait3A_301 : memref<1x128x128xf32, #tpu.memory_space<vmem>> -> memref<128x128xf32, #tpu.memory_space<vmem>>
      %dma_wait3A_303 = arith.constant 0 : i32
      %dma_wait3A_304 = tpu.memref_slice %arg9[%dma_wait3A_296, %dma_wait3A_297, %dma_wait3A_303] : memref<2x8x128xi32, #tpu.memory_space<vmem>> -> memref<1x1x128xi32, #tpu.memory_space<vmem>>
      %dma_wait3A_305 = tpu.memref_squeeze %dma_wait3A_304 : memref<1x1x128xi32, #tpu.memory_space<vmem>> -> memref<128xi32, #tpu.memory_space<vmem>>
      %dma_wait3A_306 = arith.constant 0 : i32
      %dma_wait3A_307 = arith.constant 0 : i32
      %dma_wait3A_308 = tpu.memref_slice %arg2[%dma_wait3A_306, %dma_wait3A_307] : memref<20000x128xf32, #tpu.memory_space<hbm>> -> memref<20000x128xf32, #tpu.memory_space<hbm>>
      tpu.wait_indirect_dma semaphore(%arg11 : memref<!tpu.dma_semaphore, #tpu.memory_space<semaphore_mem>>) src(%dma_wait3A_308 : memref<20000x128xf32, #tpu.memory_space<hbm>>) dst(%dma_wait3A_302 : memref<128x128xf32, #tpu.memory_space<vmem>>)
      %dma_wait3A_309 = arith.constant 1 : i32
      %dma_wait3A_310 = arith.constant 0 : i32
      %dma_wait3A_311 = arith.constant 0 : i32
      %dma_wait3A_312 = arith.constant 0 : i32
      %dma_wait3A_313 = arith.constant 0 : i32
      %dma_wait3A_314 = tpu.memref_slice %arg10[%dma_wait3A_309, %dma_wait3A_312, %dma_wait3A_313] : memref<2x128x128xf32, #tpu.memory_space<vmem>> -> memref<1x128x128xf32, #tpu.memory_space<vmem>>
      %dma_wait3A_315 = tpu.memref_squeeze %dma_wait3A_314 : memref<1x128x128xf32, #tpu.memory_space<vmem>> -> memref<128x128xf32, #tpu.memory_space<vmem>>
      %dma_wait3A_316 = arith.constant 0 : i32
      %dma_wait3A_317 = tpu.memref_slice %arg8[%dma_wait3A_310, %dma_wait3A_311, %dma_wait3A_316] : memref<2x8x128xi32, #tpu.memory_space<vmem>> -> memref<1x1x128xi32, #tpu.memory_space<vmem>>
      %dma_wait3A_318 = tpu.memref_squeeze %dma_wait3A_317 : memref<1x1x128xi32, #tpu.memory_space<vmem>> -> memref<128xi32, #tpu.memory_space<vmem>>
      %dma_wait3A_319 = arith.constant 0 : i32
      %dma_wait3A_320 = arith.constant 0 : i32
      %dma_wait3A_321 = tpu.memref_slice %arg7[%dma_wait3A_319, %dma_wait3A_320] : memref<10112x128xf32, #tpu.memory_space<vmem_shared>> -> memref<10112x128xf32, #tpu.memory_space<vmem_shared>>
      tpu.wait_indirect_dma semaphore(%arg12 : memref<!tpu.dma_semaphore, #tpu.memory_space<semaphore_mem>>) src(%dma_wait3A_315 : memref<128x128xf32, #tpu.memory_space<vmem>>) dst(%dma_wait3A_321 : memref<10112x128xf32, #tpu.memory_space<vmem_shared>>)
      %dma_start3A_322 = arith.constant 5 : i32
      %dma_start3A_323 = arith.constant 1 : i32
      %dma_start3A_324 = arith.constant 0 : i32
      %dma_start3A_325 = arith.constant 0 : i32
      %dma_start3A_326 = tpu.memref_slice %arg10[%dma_start3A_323, %dma_start3A_324, %dma_start3A_325] : memref<2x128x128xf32, #tpu.memory_space<vmem>> -> memref<1x128x128xf32, #tpu.memory_space<vmem>>
      %dma_start3A_327 = tpu.memref_squeeze %dma_start3A_326 : memref<1x128x128xf32, #tpu.memory_space<vmem>> -> memref<128x128xf32, #tpu.memory_space<vmem>>
      %dma_start3A_328 = arith.constant 0 : i32
      %dma_start3A_329 = tpu.memref_slice %arg9[%rem3A_99, %dma_start3A_322, %dma_start3A_328] : memref<2x8x128xi32, #tpu.memory_space<vmem>> -> memref<1x1x128xi32, #tpu.memory_space<vmem>>
      %dma_start3A_330 = tpu.memref_squeeze %dma_start3A_329 : memref<1x1x128xi32, #tpu.memory_space<vmem>> -> memref<128xi32, #tpu.memory_space<vmem>>
      %dma_start3A_331 = arith.constant 0 : i32
      %dma_start3A_332 = arith.constant 0 : i32
      %dma_start3A_333 = tpu.memref_slice %arg2[%dma_start3A_331, %dma_start3A_332] : memref<20000x128xf32, #tpu.memory_space<hbm>> -> memref<20000x128xf32, #tpu.memory_space<hbm>>
      tpu.enqueue_indirect_dma source(%dma_start3A_333 : memref<20000x128xf32, #tpu.memory_space<hbm>>) target(%dma_start3A_327 : memref<128x128xf32, #tpu.memory_space<vmem>>) offsets(%dma_start3A_330 : memref<128xi32, #tpu.memory_space<vmem>>) semaphore(%arg11 : memref<!tpu.dma_semaphore, #tpu.memory_space<semaphore_mem>>)
      %dma_start3A_334 = arith.constant 0 : i32
      %dma_start3A_335 = arith.constant 4 : i32
      %dma_start3A_336 = arith.constant 0 : i32
      %dma_start3A_337 = arith.constant 0 : i32
      %dma_start3A_338 = tpu.memref_slice %arg10[%dma_start3A_334, %dma_start3A_336, %dma_start3A_337] : memref<2x128x128xf32, #tpu.memory_space<vmem>> -> memref<1x128x128xf32, #tpu.memory_space<vmem>>
      %dma_start3A_339 = tpu.memref_squeeze %dma_start3A_338 : memref<1x128x128xf32, #tpu.memory_space<vmem>> -> memref<128x128xf32, #tpu.memory_space<vmem>>
      %dma_start3A_340 = arith.constant 0 : i32
      %dma_start3A_341 = tpu.memref_slice %arg8[%rem3A_99, %dma_start3A_335, %dma_start3A_340] : memref<2x8x128xi32, #tpu.memory_space<vmem>> -> memref<1x1x128xi32, #tpu.memory_space<vmem>>
      %dma_start3A_342 = tpu.memref_squeeze %dma_start3A_341 : memref<1x1x128xi32, #tpu.memory_space<vmem>> -> memref<128xi32, #tpu.memory_space<vmem>>
      %dma_start3A_343 = arith.constant 0 : i32
      %dma_start3A_344 = arith.constant 0 : i32
      %dma_start3A_345 = tpu.memref_slice %arg7[%dma_start3A_343, %dma_start3A_344] : memref<10112x128xf32, #tpu.memory_space<vmem_shared>> -> memref<10112x128xf32, #tpu.memory_space<vmem_shared>>
      tpu.enqueue_indirect_dma source(%dma_start3A_339 : memref<128x128xf32, #tpu.memory_space<vmem>>) target(%dma_start3A_345 : memref<10112x128xf32, #tpu.memory_space<vmem_shared>>) offsets(%dma_start3A_342 : memref<128xi32, #tpu.memory_space<vmem>>) semaphore(%arg12 : memref<!tpu.dma_semaphore, #tpu.memory_space<semaphore_mem>>) {add = true}
      %dma_wait3A_346 = arith.constant 0 : i32
      %dma_wait3A_347 = arith.constant 0 : i32
      %dma_wait3A_348 = arith.constant 1 : i32
      %dma_wait3A_349 = arith.constant 0 : i32
      %dma_wait3A_350 = arith.constant 0 : i32
      %dma_wait3A_351 = tpu.memref_slice %arg10[%dma_wait3A_348, %dma_wait3A_349, %dma_wait3A_350] : memref<2x128x128xf32, #tpu.memory_space<vmem>> -> memref<1x128x128xf32, #tpu.memory_space<vmem>>
      %dma_wait3A_352 = tpu.memref_squeeze %dma_wait3A_351 : memref<1x128x128xf32, #tpu.memory_space<vmem>> -> memref<128x128xf32, #tpu.memory_space<vmem>>
      %dma_wait3A_353 = arith.constant 0 : i32
      %dma_wait3A_354 = tpu.memref_slice %arg9[%dma_wait3A_346, %dma_wait3A_347, %dma_wait3A_353] : memref<2x8x128xi32, #tpu.memory_space<vmem>> -> memref<1x1x128xi32, #tpu.memory_space<vmem>>
      %dma_wait3A_355 = tpu.memref_squeeze %dma_wait3A_354 : memref<1x1x128xi32, #tpu.memory_space<vmem>> -> memref<128xi32, #tpu.memory_space<vmem>>
      %dma_wait3A_356 = arith.constant 0 : i32
      %dma_wait3A_357 = arith.constant 0 : i32
      %dma_wait3A_358 = tpu.memref_slice %arg2[%dma_wait3A_356, %dma_wait3A_357] : memref<20000x128xf32, #tpu.memory_space<hbm>> -> memref<20000x128xf32, #tpu.memory_space<hbm>>
      tpu.wait_indirect_dma semaphore(%arg11 : memref<!tpu.dma_semaphore, #tpu.memory_space<semaphore_mem>>) src(%dma_wait3A_358 : memref<20000x128xf32, #tpu.memory_space<hbm>>) dst(%dma_wait3A_352 : memref<128x128xf32, #tpu.memory_space<vmem>>)
      %dma_wait3A_359 = arith.constant 0 : i32
      %dma_wait3A_360 = arith.constant 0 : i32
      %dma_wait3A_361 = arith.constant 0 : i32
      %dma_wait3A_362 = arith.constant 0 : i32
      %dma_wait3A_363 = arith.constant 0 : i32
      %dma_wait3A_364 = tpu.memref_slice %arg10[%dma_wait3A_359, %dma_wait3A_362, %dma_wait3A_363] : memref<2x128x128xf32, #tpu.memory_space<vmem>> -> memref<1x128x128xf32, #tpu.memory_space<vmem>>
      %dma_wait3A_365 = tpu.memref_squeeze %dma_wait3A_364 : memref<1x128x128xf32, #tpu.memory_space<vmem>> -> memref<128x128xf32, #tpu.memory_space<vmem>>
      %dma_wait3A_366 = arith.constant 0 : i32
      %dma_wait3A_367 = tpu.memref_slice %arg8[%dma_wait3A_360, %dma_wait3A_361, %dma_wait3A_366] : memref<2x8x128xi32, #tpu.memory_space<vmem>> -> memref<1x1x128xi32, #tpu.memory_space<vmem>>
      %dma_wait3A_368 = tpu.memref_squeeze %dma_wait3A_367 : memref<1x1x128xi32, #tpu.memory_space<vmem>> -> memref<128xi32, #tpu.memory_space<vmem>>
      %dma_wait3A_369 = arith.constant 0 : i32
      %dma_wait3A_370 = arith.constant 0 : i32
      %dma_wait3A_371 = tpu.memref_slice %arg7[%dma_wait3A_369, %dma_wait3A_370] : memref<10112x128xf32, #tpu.memory_space<vmem_shared>> -> memref<10112x128xf32, #tpu.memory_space<vmem_shared>>
      tpu.wait_indirect_dma semaphore(%arg12 : memref<!tpu.dma_semaphore, #tpu.memory_space<semaphore_mem>>) src(%dma_wait3A_365 : memref<128x128xf32, #tpu.memory_space<vmem>>) dst(%dma_wait3A_371 : memref<10112x128xf32, #tpu.memory_space<vmem_shared>>)
      %dma_start3A_372 = arith.constant 6 : i32
      %dma_start3A_373 = arith.constant 0 : i32
      %dma_start3A_374 = arith.constant 0 : i32
      %dma_start3A_375 = arith.constant 0 : i32
      %dma_start3A_376 = tpu.memref_slice %arg10[%dma_start3A_373, %dma_start3A_374, %dma_start3A_375] : memref<2x128x128xf32, #tpu.memory_space<vmem>> -> memref<1x128x128xf32, #tpu.memory_space<vmem>>
      %dma_start3A_377 = tpu.memref_squeeze %dma_start3A_376 : memref<1x128x128xf32, #tpu.memory_space<vmem>> -> memref<128x128xf32, #tpu.memory_space<vmem>>
      %dma_start3A_378 = arith.constant 0 : i32
      %dma_start3A_379 = tpu.memref_slice %arg9[%rem3A_99, %dma_start3A_372, %dma_start3A_378] : memref<2x8x128xi32, #tpu.memory_space<vmem>> -> memref<1x1x128xi32, #tpu.memory_space<vmem>>
      %dma_start3A_380 = tpu.memref_squeeze %dma_start3A_379 : memref<1x1x128xi32, #tpu.memory_space<vmem>> -> memref<128xi32, #tpu.memory_space<vmem>>
      %dma_start3A_381 = arith.constant 0 : i32
      %dma_start3A_382 = arith.constant 0 : i32
      %dma_start3A_383 = tpu.memref_slice %arg2[%dma_start3A_381, %dma_start3A_382] : memref<20000x128xf32, #tpu.memory_space<hbm>> -> memref<20000x128xf32, #tpu.memory_space<hbm>>
      tpu.enqueue_indirect_dma source(%dma_start3A_383 : memref<20000x128xf32, #tpu.memory_space<hbm>>) target(%dma_start3A_377 : memref<128x128xf32, #tpu.memory_space<vmem>>) offsets(%dma_start3A_380 : memref<128xi32, #tpu.memory_space<vmem>>) semaphore(%arg11 : memref<!tpu.dma_semaphore, #tpu.memory_space<semaphore_mem>>)
      %dma_start3A_384 = arith.constant 1 : i32
      %dma_start3A_385 = arith.constant 5 : i32
      %dma_start3A_386 = arith.constant 0 : i32
      %dma_start3A_387 = arith.constant 0 : i32
      %dma_start3A_388 = tpu.memref_slice %arg10[%dma_start3A_384, %dma_start3A_386, %dma_start3A_387] : memref<2x128x128xf32, #tpu.memory_space<vmem>> -> memref<1x128x128xf32, #tpu.memory_space<vmem>>
      %dma_start3A_389 = tpu.memref_squeeze %dma_start3A_388 : memref<1x128x128xf32, #tpu.memory_space<vmem>> -> memref<128x128xf32, #tpu.memory_space<vmem>>
      %dma_start3A_390 = arith.constant 0 : i32
      %dma_start3A_391 = tpu.memref_slice %arg8[%rem3A_99, %dma_start3A_385, %dma_start3A_390] : memref<2x8x128xi32, #tpu.memory_space<vmem>> -> memref<1x1x128xi32, #tpu.memory_space<vmem>>
      %dma_start3A_392 = tpu.memref_squeeze %dma_start3A_391 : memref<1x1x128xi32, #tpu.memory_space<vmem>> -> memref<128xi32, #tpu.memory_space<vmem>>
      %dma_start3A_393 = arith.constant 0 : i32
      %dma_start3A_394 = arith.constant 0 : i32
      %dma_start3A_395 = tpu.memref_slice %arg7[%dma_start3A_393, %dma_start3A_394] : memref<10112x128xf32, #tpu.memory_space<vmem_shared>> -> memref<10112x128xf32, #tpu.memory_space<vmem_shared>>
      tpu.enqueue_indirect_dma source(%dma_start3A_389 : memref<128x128xf32, #tpu.memory_space<vmem>>) target(%dma_start3A_395 : memref<10112x128xf32, #tpu.memory_space<vmem_shared>>) offsets(%dma_start3A_392 : memref<128xi32, #tpu.memory_space<vmem>>) semaphore(%arg12 : memref<!tpu.dma_semaphore, #tpu.memory_space<semaphore_mem>>) {add = true}
      %dma_wait3A_396 = arith.constant 0 : i32
      %dma_wait3A_397 = arith.constant 0 : i32
      %dma_wait3A_398 = arith.constant 0 : i32
      %dma_wait3A_399 = arith.constant 0 : i32
      %dma_wait3A_400 = arith.constant 0 : i32
      %dma_wait3A_401 = tpu.memref_slice %arg10[%dma_wait3A_398, %dma_wait3A_399, %dma_wait3A_400] : memref<2x128x128xf32, #tpu.memory_space<vmem>> -> memref<1x128x128xf32, #tpu.memory_space<vmem>>
      %dma_wait3A_402 = tpu.memref_squeeze %dma_wait3A_401 : memref<1x128x128xf32, #tpu.memory_space<vmem>> -> memref<128x128xf32, #tpu.memory_space<vmem>>
      %dma_wait3A_403 = arith.constant 0 : i32
      %dma_wait3A_404 = tpu.memref_slice %arg9[%dma_wait3A_396, %dma_wait3A_397, %dma_wait3A_403] : memref<2x8x128xi32, #tpu.memory_space<vmem>> -> memref<1x1x128xi32, #tpu.memory_space<vmem>>
      %dma_wait3A_405 = tpu.memref_squeeze %dma_wait3A_404 : memref<1x1x128xi32, #tpu.memory_space<vmem>> -> memref<128xi32, #tpu.memory_space<vmem>>
      %dma_wait3A_406 = arith.constant 0 : i32
      %dma_wait3A_407 = arith.constant 0 : i32
      %dma_wait3A_408 = tpu.memref_slice %arg2[%dma_wait3A_406, %dma_wait3A_407] : memref<20000x128xf32, #tpu.memory_space<hbm>> -> memref<20000x128xf32, #tpu.memory_space<hbm>>
      tpu.wait_indirect_dma semaphore(%arg11 : memref<!tpu.dma_semaphore, #tpu.memory_space<semaphore_mem>>) src(%dma_wait3A_408 : memref<20000x128xf32, #tpu.memory_space<hbm>>) dst(%dma_wait3A_402 : memref<128x128xf32, #tpu.memory_space<vmem>>)
      %dma_wait3A_409 = arith.constant 1 : i32
      %dma_wait3A_410 = arith.constant 0 : i32
      %dma_wait3A_411 = arith.constant 0 : i32
      %dma_wait3A_412 = arith.constant 0 : i32
      %dma_wait3A_413 = arith.constant 0 : i32
      %dma_wait3A_414 = tpu.memref_slice %arg10[%dma_wait3A_409, %dma_wait3A_412, %dma_wait3A_413] : memref<2x128x128xf32, #tpu.memory_space<vmem>> -> memref<1x128x128xf32, #tpu.memory_space<vmem>>
      %dma_wait3A_415 = tpu.memref_squeeze %dma_wait3A_414 : memref<1x128x128xf32, #tpu.memory_space<vmem>> -> memref<128x128xf32, #tpu.memory_space<vmem>>
      %dma_wait3A_416 = arith.constant 0 : i32
      %dma_wait3A_417 = tpu.memref_slice %arg8[%dma_wait3A_410, %dma_wait3A_411, %dma_wait3A_416] : memref<2x8x128xi32, #tpu.memory_space<vmem>> -> memref<1x1x128xi32, #tpu.memory_space<vmem>>
      %dma_wait3A_418 = tpu.memref_squeeze %dma_wait3A_417 : memref<1x1x128xi32, #tpu.memory_space<vmem>> -> memref<128xi32, #tpu.memory_space<vmem>>
      %dma_wait3A_419 = arith.constant 0 : i32
      %dma_wait3A_420 = arith.constant 0 : i32
      %dma_wait3A_421 = tpu.memref_slice %arg7[%dma_wait3A_419, %dma_wait3A_420] : memref<10112x128xf32, #tpu.memory_space<vmem_shared>> -> memref<10112x128xf32, #tpu.memory_space<vmem_shared>>
      tpu.wait_indirect_dma semaphore(%arg12 : memref<!tpu.dma_semaphore, #tpu.memory_space<semaphore_mem>>) src(%dma_wait3A_415 : memref<128x128xf32, #tpu.memory_space<vmem>>) dst(%dma_wait3A_421 : memref<10112x128xf32, #tpu.memory_space<vmem_shared>>)
      %dma_start3A_422 = arith.constant 7 : i32
      %dma_start3A_423 = arith.constant 1 : i32
      %dma_start3A_424 = arith.constant 0 : i32
      %dma_start3A_425 = arith.constant 0 : i32
      %dma_start3A_426 = tpu.memref_slice %arg10[%dma_start3A_423, %dma_start3A_424, %dma_start3A_425] : memref<2x128x128xf32, #tpu.memory_space<vmem>> -> memref<1x128x128xf32, #tpu.memory_space<vmem>>
      %dma_start3A_427 = tpu.memref_squeeze %dma_start3A_426 : memref<1x128x128xf32, #tpu.memory_space<vmem>> -> memref<128x128xf32, #tpu.memory_space<vmem>>
      %dma_start3A_428 = arith.constant 0 : i32
      %dma_start3A_429 = tpu.memref_slice %arg9[%rem3A_99, %dma_start3A_422, %dma_start3A_428] : memref<2x8x128xi32, #tpu.memory_space<vmem>> -> memref<1x1x128xi32, #tpu.memory_space<vmem>>
      %dma_start3A_430 = tpu.memref_squeeze %dma_start3A_429 : memref<1x1x128xi32, #tpu.memory_space<vmem>> -> memref<128xi32, #tpu.memory_space<vmem>>
      %dma_start3A_431 = arith.constant 0 : i32
      %dma_start3A_432 = arith.constant 0 : i32
      %dma_start3A_433 = tpu.memref_slice %arg2[%dma_start3A_431, %dma_start3A_432] : memref<20000x128xf32, #tpu.memory_space<hbm>> -> memref<20000x128xf32, #tpu.memory_space<hbm>>
      tpu.enqueue_indirect_dma source(%dma_start3A_433 : memref<20000x128xf32, #tpu.memory_space<hbm>>) target(%dma_start3A_427 : memref<128x128xf32, #tpu.memory_space<vmem>>) offsets(%dma_start3A_430 : memref<128xi32, #tpu.memory_space<vmem>>) semaphore(%arg11 : memref<!tpu.dma_semaphore, #tpu.memory_space<semaphore_mem>>)
      %dma_start3A_434 = arith.constant 0 : i32
      %dma_start3A_435 = arith.constant 6 : i32
      %dma_start3A_436 = arith.constant 0 : i32
      %dma_start3A_437 = arith.constant 0 : i32
      %dma_start3A_438 = tpu.memref_slice %arg10[%dma_start3A_434, %dma_start3A_436, %dma_start3A_437] : memref<2x128x128xf32, #tpu.memory_space<vmem>> -> memref<1x128x128xf32, #tpu.memory_space<vmem>>
      %dma_start3A_439 = tpu.memref_squeeze %dma_start3A_438 : memref<1x128x128xf32, #tpu.memory_space<vmem>> -> memref<128x128xf32, #tpu.memory_space<vmem>>
      %dma_start3A_440 = arith.constant 0 : i32
      %dma_start3A_441 = tpu.memref_slice %arg8[%rem3A_99, %dma_start3A_435, %dma_start3A_440] : memref<2x8x128xi32, #tpu.memory_space<vmem>> -> memref<1x1x128xi32, #tpu.memory_space<vmem>>
      %dma_start3A_442 = tpu.memref_squeeze %dma_start3A_441 : memref<1x1x128xi32, #tpu.memory_space<vmem>> -> memref<128xi32, #tpu.memory_space<vmem>>
      %dma_start3A_443 = arith.constant 0 : i32
      %dma_start3A_444 = arith.constant 0 : i32
      %dma_start3A_445 = tpu.memref_slice %arg7[%dma_start3A_443, %dma_start3A_444] : memref<10112x128xf32, #tpu.memory_space<vmem_shared>> -> memref<10112x128xf32, #tpu.memory_space<vmem_shared>>
      tpu.enqueue_indirect_dma source(%dma_start3A_439 : memref<128x128xf32, #tpu.memory_space<vmem>>) target(%dma_start3A_445 : memref<10112x128xf32, #tpu.memory_space<vmem_shared>>) offsets(%dma_start3A_442 : memref<128xi32, #tpu.memory_space<vmem>>) semaphore(%arg12 : memref<!tpu.dma_semaphore, #tpu.memory_space<semaphore_mem>>) {add = true}
      %dma_wait3A_446 = arith.constant 0 : i32
      %dma_wait3A_447 = arith.constant 0 : i32
      %dma_wait3A_448 = arith.constant 1 : i32
      %dma_wait3A_449 = arith.constant 0 : i32
      %dma_wait3A_450 = arith.constant 0 : i32
      %dma_wait3A_451 = tpu.memref_slice %arg10[%dma_wait3A_448, %dma_wait3A_449, %dma_wait3A_450] : memref<2x128x128xf32, #tpu.memory_space<vmem>> -> memref<1x128x128xf32, #tpu.memory_space<vmem>>
      %dma_wait3A_452 = tpu.memref_squeeze %dma_wait3A_451 : memref<1x128x128xf32, #tpu.memory_space<vmem>> -> memref<128x128xf32, #tpu.memory_space<vmem>>
      %dma_wait3A_453 = arith.constant 0 : i32
      %dma_wait3A_454 = tpu.memref_slice %arg9[%dma_wait3A_446, %dma_wait3A_447, %dma_wait3A_453] : memref<2x8x128xi32, #tpu.memory_space<vmem>> -> memref<1x1x128xi32, #tpu.memory_space<vmem>>
      %dma_wait3A_455 = tpu.memref_squeeze %dma_wait3A_454 : memref<1x1x128xi32, #tpu.memory_space<vmem>> -> memref<128xi32, #tpu.memory_space<vmem>>
      %dma_wait3A_456 = arith.constant 0 : i32
      %dma_wait3A_457 = arith.constant 0 : i32
      %dma_wait3A_458 = tpu.memref_slice %arg2[%dma_wait3A_456, %dma_wait3A_457] : memref<20000x128xf32, #tpu.memory_space<hbm>> -> memref<20000x128xf32, #tpu.memory_space<hbm>>
      tpu.wait_indirect_dma semaphore(%arg11 : memref<!tpu.dma_semaphore, #tpu.memory_space<semaphore_mem>>) src(%dma_wait3A_458 : memref<20000x128xf32, #tpu.memory_space<hbm>>) dst(%dma_wait3A_452 : memref<128x128xf32, #tpu.memory_space<vmem>>)
      %dma_wait3A_459 = arith.constant 0 : i32
      %dma_wait3A_460 = arith.constant 0 : i32
      %dma_wait3A_461 = arith.constant 0 : i32
      %dma_wait3A_462 = arith.constant 0 : i32
      %dma_wait3A_463 = arith.constant 0 : i32
      %dma_wait3A_464 = tpu.memref_slice %arg10[%dma_wait3A_459, %dma_wait3A_462, %dma_wait3A_463] : memref<2x128x128xf32, #tpu.memory_space<vmem>> -> memref<1x128x128xf32, #tpu.memory_space<vmem>>
      %dma_wait3A_465 = tpu.memref_squeeze %dma_wait3A_464 : memref<1x128x128xf32, #tpu.memory_space<vmem>> -> memref<128x128xf32, #tpu.memory_space<vmem>>
      %dma_wait3A_466 = arith.constant 0 : i32
      %dma_wait3A_467 = tpu.memref_slice %arg8[%dma_wait3A_460, %dma_wait3A_461, %dma_wait3A_466] : memref<2x8x128xi32, #tpu.memory_space<vmem>> -> memref<1x1x128xi32, #tpu.memory_space<vmem>>
      %dma_wait3A_468 = tpu.memref_squeeze %dma_wait3A_467 : memref<1x1x128xi32, #tpu.memory_space<vmem>> -> memref<128xi32, #tpu.memory_space<vmem>>
      %dma_wait3A_469 = arith.constant 0 : i32
      %dma_wait3A_470 = arith.constant 0 : i32
      %dma_wait3A_471 = tpu.memref_slice %arg7[%dma_wait3A_469, %dma_wait3A_470] : memref<10112x128xf32, #tpu.memory_space<vmem_shared>> -> memref<10112x128xf32, #tpu.memory_space<vmem_shared>>
      tpu.wait_indirect_dma semaphore(%arg12 : memref<!tpu.dma_semaphore, #tpu.memory_space<semaphore_mem>>) src(%dma_wait3A_465 : memref<128x128xf32, #tpu.memory_space<vmem>>) dst(%dma_wait3A_471 : memref<10112x128xf32, #tpu.memory_space<vmem_shared>>)
      %convert_element_type3A_472 = arith.extui %lt3A_103 : i1 to i32
      %cond3A_473 = arith.constant 0 : i32
      %cond3A_474 = arith.cmpi ne, %convert_element_type3A_472, %cond3A_473 : i32
      scf.if %cond3A_474 {
        %dma_wait3A_487 = arith.constant 0 : i32
        %dma_wait3A_488 = arith.constant 0 : i32
        %dma_wait3A_489 = arith.constant 0 : i32
        %dma_wait3A_490 = tpu.memref_slice %arg9[%dma_wait3A_487, %dma_wait3A_488, %dma_wait3A_489] : memref<2x8x128xi32, #tpu.memory_space<vmem>> -> memref<1x8x128xi32, #tpu.memory_space<vmem>>
        %dma_wait3A_491 = tpu.memref_squeeze %dma_wait3A_490 : memref<1x8x128xi32, #tpu.memory_space<vmem>> -> memref<8x128xi32, #tpu.memory_space<vmem>>
        %dma_wait3A_492 = arith.constant 0 : i32
        %dma_wait3A_493 = tpu.memref_slice %arg3[%mul3A_2, %dma_wait3A_492] : memref<2560x128xi32, #tpu.memory_space<hbm>> -> memref<8x128xi32, #tpu.memory_space<hbm>>
        %dma_wait3A_494 = arith.constant 0 : i32
        %dma_wait3A_495 = arith.constant 0 : i32
        %dma_wait3A_496 = tpu.memref_slice %arg9[%dma_wait3A_487, %dma_wait3A_494, %dma_wait3A_495] : memref<2x8x128xi32, #tpu.memory_space<vmem>> -> memref<1x8x128xi32, #tpu.memory_space<vmem>>
        %dma_wait3A_497 = tpu.memref_squeeze %dma_wait3A_496 : memref<1x8x128xi32, #tpu.memory_space<vmem>> -> memref<8x128xi32, #tpu.memory_space<vmem>>
        %dma_wait3A_498 = arith.constant 0 : i32
        %dma_wait3A_499 = tpu.memref_slice %arg3[%mul3A_2, %dma_wait3A_498] : memref<2560x128xi32, #tpu.memory_space<hbm>> -> memref<8x128xi32, #tpu.memory_space<hbm>>
        tpu.wait_dma2 semaphore(%arg13 : memref<!tpu.dma_semaphore, #tpu.memory_space<semaphore_mem>>) src(%dma_wait3A_499 : memref<8x128xi32, #tpu.memory_space<hbm>>) dst(%dma_wait3A_497 : memref<8x128xi32, #tpu.memory_space<vmem>>)
        %dma_wait3A_500 = arith.constant 0 : i32
        %dma_wait3A_501 = arith.constant 0 : i32
        %dma_wait3A_502 = arith.constant 0 : i32
        %dma_wait3A_503 = tpu.memref_slice %arg8[%dma_wait3A_500, %dma_wait3A_501, %dma_wait3A_502] : memref<2x8x128xi32, #tpu.memory_space<vmem>> -> memref<1x8x128xi32, #tpu.memory_space<vmem>>
        %dma_wait3A_504 = tpu.memref_squeeze %dma_wait3A_503 : memref<1x8x128xi32, #tpu.memory_space<vmem>> -> memref<8x128xi32, #tpu.memory_space<vmem>>
        %dma_wait3A_505 = arith.constant 0 : i32
        %dma_wait3A_506 = tpu.memref_slice %arg4[%mul3A_2, %dma_wait3A_505] : memref<1280x128xi32, #tpu.memory_space<hbm>> -> memref<8x128xi32, #tpu.memory_space<hbm>>
        %dma_wait3A_507 = arith.constant 0 : i32
        %dma_wait3A_508 = arith.constant 0 : i32
        %dma_wait3A_509 = tpu.memref_slice %arg8[%dma_wait3A_500, %dma_wait3A_507, %dma_wait3A_508] : memref<2x8x128xi32, #tpu.memory_space<vmem>> -> memref<1x8x128xi32, #tpu.memory_space<vmem>>
        %dma_wait3A_510 = tpu.memref_squeeze %dma_wait3A_509 : memref<1x8x128xi32, #tpu.memory_space<vmem>> -> memref<8x128xi32, #tpu.memory_space<vmem>>
        %dma_wait3A_511 = arith.constant 0 : i32
        %dma_wait3A_512 = tpu.memref_slice %arg4[%mul3A_2, %dma_wait3A_511] : memref<1280x128xi32, #tpu.memory_space<hbm>> -> memref<8x128xi32, #tpu.memory_space<hbm>>
        tpu.wait_dma2 semaphore(%arg13 : memref<!tpu.dma_semaphore, #tpu.memory_space<semaphore_mem>>) src(%dma_wait3A_512 : memref<8x128xi32, #tpu.memory_space<hbm>>) dst(%dma_wait3A_510 : memref<8x128xi32, #tpu.memory_space<vmem>>)
        %dma_start3A_513 = arith.constant 0 : i32
        %dma_start3A_514 = arith.constant 0 : i32
        %dma_start3A_515 = arith.constant 0 : i32
        %dma_start3A_516 = arith.constant 0 : i32
        %dma_start3A_517 = tpu.memref_slice %arg10[%dma_start3A_514, %dma_start3A_515, %dma_start3A_516] : memref<2x128x128xf32, #tpu.memory_space<vmem>> -> memref<1x128x128xf32, #tpu.memory_space<vmem>>
        %dma_start3A_518 = tpu.memref_squeeze %dma_start3A_517 : memref<1x128x128xf32, #tpu.memory_space<vmem>> -> memref<128x128xf32, #tpu.memory_space<vmem>>
        %dma_start3A_519 = arith.constant 0 : i32
        %dma_start3A_520 = tpu.memref_slice %arg9[%sub3A_100, %dma_start3A_513, %dma_start3A_519] : memref<2x8x128xi32, #tpu.memory_space<vmem>> -> memref<1x1x128xi32, #tpu.memory_space<vmem>>
        %dma_start3A_521 = tpu.memref_squeeze %dma_start3A_520 : memref<1x1x128xi32, #tpu.memory_space<vmem>> -> memref<128xi32, #tpu.memory_space<vmem>>
        %dma_start3A_522 = arith.constant 0 : i32
        %dma_start3A_523 = arith.constant 0 : i32
        %dma_start3A_524 = tpu.memref_slice %arg2[%dma_start3A_522, %dma_start3A_523] : memref<20000x128xf32, #tpu.memory_space<hbm>> -> memref<20000x128xf32, #tpu.memory_space<hbm>>
        tpu.enqueue_indirect_dma source(%dma_start3A_524 : memref<20000x128xf32, #tpu.memory_space<hbm>>) target(%dma_start3A_518 : memref<128x128xf32, #tpu.memory_space<vmem>>) offsets(%dma_start3A_521 : memref<128xi32, #tpu.memory_space<vmem>>) semaphore(%arg11 : memref<!tpu.dma_semaphore, #tpu.memory_space<semaphore_mem>>)
      } else {
      }
      %dma_start3A_475 = arith.constant 1 : i32
      %dma_start3A_476 = arith.constant 7 : i32
      %dma_start3A_477 = arith.constant 0 : i32
      %dma_start3A_478 = arith.constant 0 : i32
      %dma_start3A_479 = tpu.memref_slice %arg10[%dma_start3A_475, %dma_start3A_477, %dma_start3A_478] : memref<2x128x128xf32, #tpu.memory_space<vmem>> -> memref<1x128x128xf32, #tpu.memory_space<vmem>>
      %dma_start3A_480 = tpu.memref_squeeze %dma_start3A_479 : memref<1x128x128xf32, #tpu.memory_space<vmem>> -> memref<128x128xf32, #tpu.memory_space<vmem>>
      %dma_start3A_481 = arith.constant 0 : i32
      %dma_start3A_482 = tpu.memref_slice %arg8[%rem3A_99, %dma_start3A_476, %dma_start3A_481] : memref<2x8x128xi32, #tpu.memory_space<vmem>> -> memref<1x1x128xi32, #tpu.memory_space<vmem>>
      %dma_start3A_483 = tpu.memref_squeeze %dma_start3A_482 : memref<1x1x128xi32, #tpu.memory_space<vmem>> -> memref<128xi32, #tpu.memory_space<vmem>>
      %dma_start3A_484 = arith.constant 0 : i32
      %dma_start3A_485 = arith.constant 0 : i32
      %dma_start3A_486 = tpu.memref_slice %arg7[%dma_start3A_484, %dma_start3A_485] : memref<10112x128xf32, #tpu.memory_space<vmem_shared>> -> memref<10112x128xf32, #tpu.memory_space<vmem_shared>>
      tpu.enqueue_indirect_dma source(%dma_start3A_480 : memref<128x128xf32, #tpu.memory_space<vmem>>) target(%dma_start3A_486 : memref<10112x128xf32, #tpu.memory_space<vmem_shared>>) offsets(%dma_start3A_483 : memref<128xi32, #tpu.memory_space<vmem>>) semaphore(%arg12 : memref<!tpu.dma_semaphore, #tpu.memory_space<semaphore_mem>>) {add = true}
    }
    %scan3A_75 = arith.constant 10 : i32
    %dma_wait3A_76 = arith.constant 1 : i32
    %dma_wait3A_77 = arith.constant 0 : i32
    %dma_wait3A_78 = arith.constant 0 : i32
    %dma_wait3A_79 = arith.constant 0 : i32
    %dma_wait3A_80 = arith.constant 0 : i32
    %dma_wait3A_81 = tpu.memref_slice %arg10[%dma_wait3A_76, %dma_wait3A_79, %dma_wait3A_80] : memref<2x128x128xf32, #tpu.memory_space<vmem>> -> memref<1x128x128xf32, #tpu.memory_space<vmem>>
    %dma_wait3A_82 = tpu.memref_squeeze %dma_wait3A_81 : memref<1x128x128xf32, #tpu.memory_space<vmem>> -> memref<128x128xf32, #tpu.memory_space<vmem>>
    %dma_wait3A_83 = arith.constant 0 : i32
    %dma_wait3A_84 = tpu.memref_slice %arg8[%dma_wait3A_77, %dma_wait3A_78, %dma_wait3A_83] : memref<2x8x128xi32, #tpu.memory_space<vmem>> -> memref<1x1x128xi32, #tpu.memory_space<vmem>>
    %dma_wait3A_85 = tpu.memref_squeeze %dma_wait3A_84 : memref<1x1x128xi32, #tpu.memory_space<vmem>> -> memref<128xi32, #tpu.memory_space<vmem>>
    %dma_wait3A_86 = arith.constant 0 : i32
    %dma_wait3A_87 = arith.constant 0 : i32
    %dma_wait3A_88 = tpu.memref_slice %arg7[%dma_wait3A_86, %dma_wait3A_87] : memref<10112x128xf32, #tpu.memory_space<vmem_shared>> -> memref<10112x128xf32, #tpu.memory_space<vmem_shared>>
    tpu.wait_indirect_dma semaphore(%arg12 : memref<!tpu.dma_semaphore, #tpu.memory_space<semaphore_mem>>) src(%dma_wait3A_82 : memref<128x128xf32, #tpu.memory_space<vmem>>) dst(%dma_wait3A_88 : memref<10112x128xf32, #tpu.memory_space<vmem_shared>>)
    %barrier3A_89 = arith.constant 0 : index
    tpu.barrier barrier_id(%barrier3A_89)
    %mul3A_90 = arith.constant 632 : i32
    %mul3A_91 = arith.muli %arg1, %mul3A_90 : i32
    %mul3A_92 = arith.constant 632 : i32
    %mul3A_93 = arith.muli %arg1, %mul3A_92 : i32
    "tpu.region"() ({
      %run_scoped3A = tpu.sem_alloc : memref<!tpu.dma_semaphore, #tpu.memory_space<semaphore_mem>>
      %dma_start3A_94 = arith.constant 0 : i32
      %dma_start3A_95 = tpu.memref_slice %arg6[%arg0, %mul3A_93, %dma_start3A_94] : memref<2x10112x128xf32, #tpu.memory_space<hbm>> -> memref<1x632x128xf32, #tpu.memory_space<hbm>>
      %dma_start3A_96 = tpu.memref_squeeze %dma_start3A_95 : memref<1x632x128xf32, #tpu.memory_space<hbm>> -> memref<632x128xf32, #tpu.memory_space<hbm>>
      %dma_start3A_97 = arith.constant 0 : i32
      %dma_start3A_98 = tpu.memref_slice %arg7[%mul3A_91, %dma_start3A_97] : memref<10112x128xf32, #tpu.memory_space<vmem_shared>> -> memref<632x128xf32, #tpu.memory_space<vmem_shared>>
      tpu.enqueue_dma source(%dma_start3A_98 : memref<632x128xf32, #tpu.memory_space<vmem_shared>>) target(%dma_start3A_96 : memref<632x128xf32, #tpu.memory_space<hbm>>) target_semaphore(%run_scoped3A : memref<!tpu.dma_semaphore, #tpu.memory_space<semaphore_mem>>)
      %dma_wait3A_99 = arith.constant 0 : i32
      %dma_wait3A_100 = tpu.memref_slice %arg6[%arg0, %mul3A_93, %dma_wait3A_99] : memref<2x10112x128xf32, #tpu.memory_space<hbm>> -> memref<1x632x128xf32, #tpu.memory_space<hbm>>
      %dma_wait3A_101 = tpu.memref_squeeze %dma_wait3A_100 : memref<1x632x128xf32, #tpu.memory_space<hbm>> -> memref<632x128xf32, #tpu.memory_space<hbm>>
      %dma_wait3A_102 = arith.constant 0 : i32
      %dma_wait3A_103 = tpu.memref_slice %arg7[%mul3A_91, %dma_wait3A_102] : memref<10112x128xf32, #tpu.memory_space<vmem_shared>> -> memref<632x128xf32, #tpu.memory_space<vmem_shared>>
      tpu.wait_dma2 semaphore(%run_scoped3A : memref<!tpu.dma_semaphore, #tpu.memory_space<semaphore_mem>>) src(%dma_wait3A_103 : memref<632x128xf32, #tpu.memory_space<vmem_shared>>) dst(%dma_wait3A_101 : memref<632x128xf32, #tpu.memory_space<hbm>>)
      tpu.yield
    }) : () -> ()
    return
  }
}

module attributes {stable_mosaic.version = 14 : i64} {
  func.func @_mm_body(%arg0: i32, %arg1: memref<2x2000x128xf32, #tpu.memory_space<vmem>>, %arg2: memref<2x128x256xf32, #tpu.memory_space<vmem>>, %arg3: memref<1x256xf32, #tpu.memory_space<vmem>>, %arg4: memref<2000x256xf32, #tpu.memory_space<vmem>>) attributes {dimension_semantics = [#tpu.dimension_semantics<arbitrary>], iteration_bounds = array<i64: 5>, scalar_prefetch = 0 : i64, scratch_operands = 0 : i64, tpu.core_type = #tpu.core_type<tc>, window_params = [{transform_indices = @transform_0, window_bounds = array<i64: 2, 2000, 128>}, {pipeline_mode = #tpu.pipeline_mode<synchronous>, transform_indices = @transform_1, window_bounds = array<i64: 2, 128, 256>}, {pipeline_mode = #tpu.pipeline_mode<synchronous>, transform_indices = @transform_2, window_bounds = array<i64: 1, 256>}, {transform_indices = @transform_3, window_bounds = array<i64: 2000, 256>}]} {
    %get3A = arith.constant 0 : index
    %get3A_0 = arith.constant 0 : index
    %get3A_1 = arith.constant 0 : index
    %get3A_2 = vector.load %arg1[%get3A, %get3A_0, %get3A_1] : memref<2x2000x128xf32, #tpu.memory_space<vmem>>, vector<1x2000x128xf32>
    %get3A_3 = vector.shape_cast %get3A_2 : vector<1x2000x128xf32> to vector<2000x128xf32>
    %get3A_4 = arith.constant 0 : index
    %get3A_5 = arith.constant 0 : index
    %get3A_6 = arith.constant 0 : index
    %get3A_7 = vector.load %arg2[%get3A_4, %get3A_5, %get3A_6] : memref<2x128x256xf32, #tpu.memory_space<vmem>>, vector<1x128x256xf32>
    %get3A_8 = vector.shape_cast %get3A_7 : vector<1x128x256xf32> to vector<128x256xf32>
    %dot_general3A = arith.constant dense<0.000000e+00> : vector<2000x256xf32>
    %dot_general3A_9 = tpu.matmul %get3A_3, %get3A_8, %dot_general3A {dimension_numbers = #tpu.dot_dimension_numbers<[1], [0], [0], [1], [0, 0, 1, 1], [], []>, precision = #tpu.contract_precision<fp32>, transpose_lhs_hint = false} : vector<2000x128xf32>, vector<128x256xf32>, vector<2000x256xf32> -> vector<2000x256xf32>
    %get3A_10 = arith.constant 1 : index
    %get3A_11 = arith.constant 0 : index
    %get3A_12 = arith.constant 0 : index
    %get3A_13 = vector.load %arg1[%get3A_10, %get3A_11, %get3A_12] : memref<2x2000x128xf32, #tpu.memory_space<vmem>>, vector<1x2000x128xf32>
    %get3A_14 = vector.shape_cast %get3A_13 : vector<1x2000x128xf32> to vector<2000x128xf32>
    %get3A_15 = arith.constant 1 : index
    %get3A_16 = arith.constant 0 : index
    %get3A_17 = arith.constant 0 : index
    %get3A_18 = vector.load %arg2[%get3A_15, %get3A_16, %get3A_17] : memref<2x128x256xf32, #tpu.memory_space<vmem>>, vector<1x128x256xf32>
    %get3A_19 = vector.shape_cast %get3A_18 : vector<1x128x256xf32> to vector<128x256xf32>
    %dot_general3A_20 = arith.constant dense<0.000000e+00> : vector<2000x256xf32>
    %dot_general3A_21 = tpu.matmul %get3A_14, %get3A_19, %dot_general3A_20 {dimension_numbers = #tpu.dot_dimension_numbers<[1], [0], [0], [1], [0, 0, 1, 1], [], []>, precision = #tpu.contract_precision<fp32>, transpose_lhs_hint = false} : vector<2000x128xf32>, vector<128x256xf32>, vector<2000x256xf32> -> vector<2000x256xf32>
    %add3A = arith.addf %dot_general3A_9, %dot_general3A_21 : vector<2000x256xf32>
    %get3A_22 = arith.constant 0 : index
    %get3A_23 = arith.constant 0 : index
    %get3A_24 = vector.load %arg3[%get3A_22, %get3A_23] : memref<1x256xf32, #tpu.memory_space<vmem>>, vector<1x256xf32>
    %add3A_25 = vector.broadcast %get3A_24 : vector<1x256xf32> to vector<2000x256xf32>
    %add3A_26 = arith.addf %add3A, %add3A_25 : vector<2000x256xf32>
    %swap3A = arith.constant 0 : index
    %swap3A_27 = arith.constant 0 : index
    %swap3A_28 = vector.load %arg4[%swap3A, %swap3A_27] : memref<2000x256xf32, #tpu.memory_space<vmem>>, vector<2000x256xf32>
    tpu.vector_store %arg4[%swap3A, %swap3A_27], %add3A_26 {strides = array<i32>} : memref<2000x256xf32, #tpu.memory_space<vmem>>, vector<2000x256xf32>,
    return
  }
  func.func @transform_0(%arg0: i32) -> (i32, i32, i32) {
    %c0_i32 = arith.constant 0 : i32
    %c0_i32_0 = arith.constant 0 : i32
    %c0_i32_1 = arith.constant 0 : i32
    return %c0_i32, %arg0, %c0_i32_0 : i32, i32, i32
  }
  func.func @transform_1(%arg0: i32) -> (i32, i32, i32) {
    %c0_i32 = arith.constant 0 : i32
    %c0_i32_0 = arith.constant 0 : i32
    %c0_i32_1 = arith.constant 0 : i32
    %c0_i32_2 = arith.constant 0 : i32
    return %c0_i32, %c0_i32_0, %c0_i32_1 : i32, i32, i32
  }
  func.func @transform_2(%arg0: i32) -> (i32, i32) {
    %c0_i32 = arith.constant 0 : i32
    %c0_i32_0 = arith.constant 0 : i32
    %c0_i32_1 = arith.constant 0 : i32
    return %c0_i32, %c0_i32_0 : i32, i32
  }
  func.func @transform_3(%arg0: i32) -> (i32, i32) {
    %c0_i32 = arith.constant 0 : i32
    %c0_i32_0 = arith.constant 0 : i32
    return %arg0, %c0_i32 : i32, i32
  }
}

</mosaic_0001>

<sc_bundles>
// kernel: kernel.4.cloned.1.call-start
scs
__scs_entry_jumppad:
0x0: {  	(pc) =	sbr.rel $0x88, $3  }
0x1: {  	(tag) =	ssettag $0x0;
	lr =	simm.s32 $0x1  }
0x2: {  	[smem:$0x3F9D] =	sst lr;
	_ =	strace $0xD0000000  }
0x3: {  	_ = 	snop  }
0x4: {  	_ = 	snop  }
0x5: {  	_ = 	snop  }
0x6: {  	_ = 	snop  }
0x7: {  	_ = 	snop  }
__scs_overlays_trampoline_lowered:
0x8: {  	[smem:$0x3FAC] =	sst s0  }
0x9: {  	[smem:$0x3FAD] =	sst s1  }
0xa: {  	[smem:$0x3FAE] =	sst s2  }
0xb: {  	[smem:$0x3FAF] =	sst s3  }
0xc: {  	[smem:$0x3FB0] =	sst s4  }
0xd: {  	[smem:$0x3FB1] =	sst s5  }
0xe: {  	[smem:$0x3FB2] =	sst s6  }
0xf: {  	[smem:$0x3FB3] =	sst s7  }
0x10: {  	[smem:$0x3FB4] =	sst s8  }
0x11: {  	[smem:$0x3FB5] =	sst s9;
	s0 =	simm.s32 @!p0 $0x0  }
0x12: {  	s1 =	sld [smem:$0x3F9B];
	s0 =	simm.s32 @p0 $0x1  }
0x13: {  	[smem:$0x3FB6] =	sst s0;
	s0 =	simm.s32 @!p1 $0x0  }
0x14: {  	s2 =	sld [smem:$0x3F9A];
	s0 =	simm.s32 @p1 $0x1  }
0x15: {  	[smem:$0x3FB7] =	sst s0;
	s0 =	simm.s32 @!p2 $0x0  }
0x16: {  	s3 =	sld [smem:$0x3FDB];
	s0 =	simm.s32 @p2 $0x1  }
0x17: {  	s4 =	simm.s32 $0x1BF5;
	[smem:$0x3FB9] =	sst s0  }
0x18: {  	s0 =	sld [smem:$0x3F9C];
	_ =	swait.ge [sflag:s4], $0x0  }
0x19: {  	s7 =	sld [smem:$0x3F9D]  }
0x1a: {  	s8 =	sadd.s32 $0xFFFFE003, lr  }
0x1b: {  	s9 =	sadd.s32 $0xFFFFFEF7, lr;
	s5 =	simm.s32 $0xFFFFFFFF;
	p2 =	slt.u32 s8, $0xFFFFF086  }
0x1c: {  	p1 =	slt.u32 s9, $0xF7A;
	s5 =	simm.s32 @!p2 $0x0  }
0x1d: {  	s5 =	simm.s32 @p1 $0x1;
	p0 =	seq.s32 s7, s2  }
0x1e: {  	s7 =	smul.u32 @!p0 $0xF7A, s2;
	p2 =	seq.s32 @!p0 s5, $0x0  }
0x1f: {  	s9 =	smul.u32 $0xF7A, s1;
	s8 =	simm.s32 @!p0 $0x1BF5;
	p2 =	por !p2, p0  }
0x20: {  	[sflag:s8] =	ssyncset.s32 @!p0 $0xFFFFF086;
	s6 =	sadd.s32 @!p0 s3, s7;
	s7 =	simm.s32 @!p0 $0x108  }
0x21: {  	s3 =	sadd.s32 s3, s9;
	s6 =	sadd.s32 @!p0 $0x88, s6;
	s7 =	simm.s32 @p2 $0x1082  }
0x22: {  	[simem:s7], [sflag:s8] =	dma.local @!p0 [hbm:s6], $0xF7A  }
0x23: {  	s9 =	sor.u32 $0xD0000000, s2;
	s6 =	simm.s32 $0x108;
	_ =	swait.ge @!p0 [sflag:s8], $0x0  }
0x24: {  	s3 =	sadd.s32 $0x88, s3;
	s6 =	simm.s32 @!p1 $0x1082;
	[sflag:s4] =	ssyncset.s32 $0xFFFFF086  }
0x25: {  	[simem:s6], [sflag:s4] =	dma.local [hbm:s3], $0xF7A  }
0x26: {  	[smem:$0x3F9D] =	sst s1;
	(tag) =	ssettag s2;
	_ =	strace s9  }
0x27: {  	s1 =	sld [smem:$0x3FAD]  }
0x28: {  	s2 =	sld [smem:$0x3FAE]  }
0x29: {  	s4 =	sld [smem:$0x3FB0]  }
0x2a: {  	p0 =	seq.s32 s5, $0x0;
	s5 =	sld [smem:$0x3FB1]  }
0x2b: {  	s6 =	sld [smem:$0x3FB2]  }
0x2c: {  	s7 =	sld [smem:$0x3FB3]  }
0x2d: {  	s3 =	simm.s32 $0x108;
	s8 =	sld [smem:$0x3FB4]  }
0x2e: {  	s3 =	simm.s32 @!p0 $0x1082;
	s9 =	sld [smem:$0x3FB5]  }
0x2f: {  	lr =	sadd.s32 s0, s3;
	s0 =	sld [smem:$0x3FAC]  }
0x30: {  	s3 =	sld [smem:$0x3FAF]  }
0x31: {  	[smem:$0x3FB8] =	sst s10  }
0x32: {  	s10 =	sld [smem:$0x3FB6];
	_ =	sdelay $0x3  }
0x33: {  	p0 =	seq.s32 s10, $0x1;
	s10 =	sld [smem:$0x3FB8];
	_ =	sdelay $0x3  }
0x34: {  	[smem:$0x3FB8] =	sst s10  }
0x35: {  	s10 =	sld [smem:$0x3FB7];
	_ =	sdelay $0x3  }
0x36: {  	p1 =	seq.s32 s10, $0x1;
	s10 =	sld [smem:$0x3FB8];
	_ =	sdelay $0x3  }
0x37: {  	[smem:$0x3FB8] =	sst s10  }
0x38: {  	s10 =	sld [smem:$0x3FB9]  }
0x39: {  	_ = 	snop;
	(pc) =	sbr.ind lr, $3  }
0x3a: {  	_ = 	snop  }
0x3b: {  	_ = 	snop  }
0x3c: {  	p2 =	seq.s32 s10, $0x1;
	s10 =	sld [smem:$0x3FB8]  }
0x3d: {  	_ =	shalt  }
0x3e: {  	_ =	shalt  }
0x3f: {  	_ =	shalt  }
0x40: {  	_ =	shalt  }
0x41: {  	_ =	shalt  }
0x42: {  	_ =	shalt  }
0x43: {  	_ =	shalt  }
0x44: {  	_ =	shalt  }
0x45: {  	_ =	shalt  }
0x46: {  	_ =	shalt  }
0x47: {  	_ =	shalt  }
0x48: {  	_ =	shalt  }
0x49: {  	_ =	shalt  }
0x4a: {  	_ =	shalt  }
0x4b: {  	_ =	shalt  }
0x4c: {  	_ =	shalt  }
0x4d: {  	_ =	shalt  }
0x4e: {  	_ =	shalt  }
0x4f: {  	_ =	shalt  }
0x50: {  	_ =	shalt  }
0x51: {  	_ =	shalt  }
0x52: {  	_ =	shalt  }
0x53: {  	_ =	shalt  }
0x54: {  	_ =	shalt  }
0x55: {  	_ =	shalt  }
0x56: {  	_ =	shalt  }
0x57: {  	_ =	shalt  }
0x58: {  	_ =	shalt  }
0x59: {  	_ =	shalt  }
0x5a: {  	_ =	shalt  }
0x5b: {  	_ =	shalt  }
0x5c: {  	_ =	shalt  }
0x5d: {  	_ =	shalt  }
0x5e: {  	_ =	shalt  }
0x5f: {  	_ =	shalt  }
0x60: {  	_ =	shalt  }
0x61: {  	_ =	shalt  }
0x62: {  	_ =	shalt  }
0x63: {  	_ =	shalt  }
0x64: {  	_ =	shalt  }
0x65: {  	_ =	shalt  }
0x66: {  	_ =	shalt  }
0x67: {  	_ =	shalt  }
0x68: {  	_ =	shalt  }
0x69: {  	_ =	shalt  }
0x6a: {  	_ =	shalt  }
0x6b: {  	_ =	shalt  }
0x6c: {  	_ =	shalt  }
0x6d: {  	_ =	shalt  }
0x6e: {  	_ =	shalt  }
0x6f: {  	_ =	shalt  }
0x70: {  	_ =	shalt  }
0x71: {  	_ =	shalt  }
0x72: {  	_ =	shalt  }
0x73: {  	_ =	shalt  }
0x74: {  	_ =	shalt  }
0x75: {  	_ =	shalt  }
0x76: {  	_ =	shalt  }
0x77: {  	_ =	shalt  }
0x78: {  	_ =	shalt  }
0x79: {  	_ =	shalt  }
0x7a: {  	_ =	shalt  }
0x7b: {  	_ =	shalt  }
0x7c: {  	_ =	shalt  }
0x7d: {  	_ =	shalt  }
0x7e: {  	_ =	shalt  }
0x7f: {  	_ =	shalt  }
0x80: {  	_ =	shalt  }
0x81: {  	_ =	shalt  }
0x82: {  	_ =	shalt  }
0x83: {  	_ =	shalt  }
0x84: {  	_ =	shalt  }
0x85: {  	_ =	shalt  }
0x86: {  	_ =	shalt  }
0x87: {  	_ =	shalt  }
.Lfunc_end0:
.L_simem_size_0:
called_computation_lowered:
.L_overlay_start_0:
0x88: {  	s2 =	sld [smem:$0x3FD9]  }
0x89: {  	s3 =	sld [smem:$0x3FFE];
	_ =	sdelay $0x1  }
0x8a: {  	s1 =	srdreg.scid  }
0x8b: {  	s0 =	sand.u32 $0x1, s1  }
0x8c: {  	s17 =	sshll.u32 s0, $0xA;
	s2 =	sadd.s32 s3, s2  }
0x8d: {  	s2 =	sadd.s32 s2, s17  }
0x8e: {  	[smem:$0x3FC4] =	sst s2  }
0x8f: {  	_ = 	snop  }
0x90: {  	s2 =	sld [smem:$0x3FD0];
	(tm) =	ssettm $0x1  }
0x91: {  	s18 =	sld [smem:$0x3FFB];
	_ =	sdelay $0x3  }
0x92: {  	_ =	strace s18  }
0x93: {  	s3 =	sld [smem:$0x3FFC];
	_ =	sdelay $0x3  }
0x94: {  	_ =	strace s3  }
0x95: {  	s3 =	sld [smem:$0x3FFD];
	_ =	sdelay $0x3  }
0x96: {  	_ =	strace s3  }
0x97: {  	_ =	strace $0x8FFFFFFF  }
0x98: {  	s19 =	sld [smem:$0x3FDB];
	_ =	sdelay $0x1  }
0x99: {  	s4 =	simm.s32 $_scs_section_size  }
0x9a: {  	s5 =	simm.s32 $_size__tile_overlayer_lowered;
	s6 =	simm.s32 $_tile_overlayer_lowered  }
0x9b: {  	s22 =	simm.s32 $0x1BFF;
	s21 =	sshll.u32 s6, $0x1;
	s3 =	sadd.s32 s4, s19  }
0x9c: {  	s7 =	simm.s32 $0x0;
	s20 =	sshll.u32 s5, $0x1;
	s5 =	sadd.s32 s21, s3  }
0x9d: {  	[timem:s7], [sflag:s22] =	dma.local [hbm:s5], s20  }
0x9e: {  	_ =	swait.ge [sflag:s22], s20  }
0x9f: {  	s4 =	ssub.s32 $0x0, s20;
	[sflag:s22] =	ssyncset.done $0x0  }
0xa0: {  	[sflag:s22] =	ssyncadd.s32 s4;
	_ =	sdelay $0x1  }
0xa1: {  	s23 =	simm.s32 $0x1B8B  }
0xa2: {  	_ =	swait.ge [sflag:s23], $0x1  }
0xa3: {  	[sflag:s23] =	ssyncset.done $0x0  }
0xa4: {  	s25 =	simm.s32 $0x1B8E;
	s24 =	sld [smem:$0x3FFE];
	[sflag:s23] =	ssyncadd.s32 $0xFFFFFFFF  }
0xa5: {  	s26 =	simm.s32 $execute0_lowered;
	[smem:$0x3FD2] =	sst s25  }
0xa6: {  	s5 =	sshll.u32 s26, $0x1;
	_ =	strace $0x80000046;
	[dreg:$0x1] =	wrdreg $0xFFFFFFFF  }
0xa7: {  	s28 =	simm.s32 $_size_execute0_lowered;
	s3 =	sadd.s32 s3, s5;
	[dreg:$0x0] =	wrdreg $0x0  }
0xa8: {  	s5 =	sshll.u32 s28, $0x1;
	[dreg:$0x2] =	wrdreg s3  }
0xa9: {  	[dreg:$0x3] =	wrdreg s5  }
0xaa: {  	[dreg:$0x4] =	wrdreg $0xC0  }
0xab: {  	_ =	task [dreg:s7], $0x5FFFF  }
0xac: {  	[dreg:$0x1] =	wrdreg $0xFFFFFFFF  }
0xad: {  	[dreg:$0x0] =	wrdreg $0x60  }
0xae: {  	[dreg:$0x2] =	wrdreg s2  }
0xaf: {  	[dreg:$0x3] =	wrdreg s24  }
0xb0: {  	[dreg:$0x4] =	wrdreg $0x0  }
0xb1: {  	[dreg:$0x5] =	wrdreg $0x9  }
0xb2: {  	_ =	task.clear_ibuf [dreg:s7], $0x6FFFF;
	_ =	strace $0x90000046  }
0xb3: {  	s29 =	simm.s32 $0x9;
	_ =	strace $0x80000048  }
0xb4: {  	_ =	swait.ge [sflag:s29], $0x1  }
0xb5: {  	[sflag:s29] =	ssyncadd.s32 $0xFFFFFFFF  }
0xb6: {  	_ =	strace $0x90000048  }
0xb7: {  	_ =	sfence  }
0xb8: {  	s30 =	sld [smem:$0x0];
	_ =	sdelay $0x2  }
0xb9: {  	s31 =	sshll.u32 s1, $0xD;
	s1 =	sshrl.u32 s1, $0x2  }
0xba: {  	s3 =	sand.u32 $0x4000, s31;
	s1 =	sadd.s32 s1, s30  }
0xbb: {  	s0 =	sor.u32 s3, s0;
	s1 =	sshll.u32 s1, $0x11  }
0xbc: {  	s0 =	sor.u32 s1, s0  }
0xbd: {  	s0 =	sadd.s32 $0x8F2B, s0  }
0xbe: {  	[sflag:s0] =	ssyncadd.remote.s32 $0x1  }
0xbf: {  	_ =	sfence.sel $0xFFFF  }
0xc0: {  	[dreg:$0x0] =	wrdreg $0xFFFFFFFF;
	(pc) =	sbr.abs _section_cstart, $3  }
0xc1: {  	[dreg:$0x1] =	wrdreg $0xFFFFFFFF  }
0xc2: {  	_ =	task.clear_ibuf [dreg:s7], $0x2FFFF;
	_ =	strace $0x9FFFFFFF  }
0xc3: {  	(tm) =	ssettm $0x7FFFFFFF  }
tec
execute0_lowered:
.L_overlay_start_1:
0x0: {  	(tag) =	ssettag $0x1  }
0x1: {  	s1 =	rddreg [dreg:$0x0]  }
0x2: {  	s6 =	rddreg [dreg:$0x1]  }
0x3: {  	s0 =	stileid.u32;
	s2 =	srdreg.scid  }
0x4: {  	s3 =	rddreg [dreg:$0x2];
	s4 =	simm.s32 $0x0;
	s17 =	simm.s32 $0x3  }
0x5: {  	s18 =	simm.s32 $0x80;
	s19 =	simm.s32 $0x14C00;
	s9 =	smul.u32 $0x500, s0  }
0x6: {  	s20 =	simm.s32 $0x1;
	s21 =	simm.s32 $0x18C00;
	s10 =	smul.u32 $0x13C00, s0  }
0x7: {  	s22 =	simm.s32 $0x2;
	s23 =	simm.s32 $0x0;
	s24 =	smul.u32 $0x4F000, s0  }
0x8: {  	s7 =	sand.u32 $0x1, s2;
	s2 =	rddreg [dreg:$0x3];
	s14 =	smul.u32 $0x50, s0  }
0x9: {  	[smem:$0x7FF] =	sst s4;
	s11 =	sadd.s32 $0x5600, s6;
	s8 =	smul.u32 $0x13C000, s7  }
0xa: {  	s5 =	sadd.s32 $0xF600, s6;
	s29 =	sshll.u32 s0, $0x6;
	s26 =	smul.u32 $0x500, s7  }
0xb: {  	_ =	strace $0x80000047;
	s13 =	ssub.s32 $0x2, s7;
	s7 =	smul.u32 $0x5000, s7  }
0xc: {  	s12 =	sadd.s32 s9, s6;
	s25 =	sshrl.u32 s13, $0x1;
	s28 =	sshrl.u32 s24, $0x2  }
0xd: {  	s8 =	sadd.s32 s10, s8;
	s13 =	ssub.s32 s13, s25;
	s30 =	sadd.s32 s7, s11  }
0xe: {  	s16 =	sadd.s32 s28, s3;
	s8 =	sshrl.u32 s8, $0x3;
	s31 =	sadd.s32 s9, s30  }
.Ltmp0:
0xf: {  	s10 =	smax.u32 s13, $0x1;
	s13 =	sshrl.u32 s16, $0x3;
	(pc) =	sbr.rel .LBB2_1-.Ltmp0, $4  }
0x10: {  	s16 =	simm.s32 $0x13C00;
	s15 =	sadd.s32 s8, s6;
	s8 =	sadd.s32 s14, s26  }
0x11: {  	s6 =	sor.u32 $0x1C04, s29;
	s14 =	simm.s32 $0x4;
	s8 =	sshll.u32 s8, $0x4  }
0x12: {  	s9 =	sadd.s32 $0x11E00, s15;
	s15 =	simm.s32 $0x14400;
	s7 =	sadd.s32 s11, s8  }
0x13: {  	s8 =	sadd.s32 $0x600, s12;
	s11 =	sadd.s32 $0x80, s31;
	s12 =	sadd.s32 $0x680, s12  }
.LBB2_3:
0x14: {  	s24 =	sadd.s32 $0x13C00, s28  }
0x15: {  	[spmem:s3] =	stream.indirect.scatter.add.f32 [tilespmem:s21], [sflag:$0x2], $0x80, s24, s18, $0xb8;
	[tilespmem:$0x1CC00] =	vst v63  }
.LBB2_5:
0x16: {  	_ =	swait.ge [sflag:s22], $0x4000  }
0x17: {  	s23 =	sadd.s32 $0x1, s23;
	[sflag:s22] =	ssyncset.done $0x0  }
0x18: {  	p0 =	sne.s32 s23, s10;
	[sflag:s22] =	ssyncadd.s32 $0xFFFFC000  }
.Ltmp1:
0x19: {  	[bflag:$0x0] =	sbarrier.arrive $0xFFFF;
	(pc) =	sbr.rel @!p0 .LBB2_6-.Ltmp1, $4  }
0x1a: {  	[hbm:s9], [sflag:s6] =	dma.local [spmem:s13], $0x2780  }
0x1b: {  	_ =	swait.ge [sflag:s14], $0x2780  }
0x1c: {  	[sflag:s14] =	ssyncset.done $0x0  }
0x1d: {  	[sflag:s14] =	ssyncadd.s32 $0xFFFFD880  }
.LBB2_1:
0x1e: {  	[spmem:s13], [sflag:s6] =	dma.local [hbm:s5], $0x2780  }
0x1f: {  	_ =	swait.ge [sflag:s14], $0x2780  }
0x20: {  	[sflag:s14] =	ssyncset.done $0x0  }
0x21: {  	[sflag:s14] =	ssyncadd.s32 $0xFFFFD880  }
0x22: {  	[tilespmem:s15], [sflag:$0x3] =	stream.linear.gather [hbm4b:s7+s4], $0x400, $0x38;
	[tilespmem:$0x1CC00] =	vst v63  }
0x23: {  	_ = 	snop  }
0x24: {  	[tilespmem:s16], [sflag:$0x3] =	stream.linear.gather [hbm4b:s8+s4], $0x400, $0x38;
	[tilespmem:$0x1CC00] =	vst v63  }
0x25: {  	_ =	swait.ge [sflag:s17], $0x400  }
0x26: {  	[sflag:s17] =	ssyncset.done $0x0  }
0x27: {  	[sflag:s17] =	ssyncadd.s32 $0xFFFFFC00  }
0x28: {  	_ =	swait.ge [sflag:s17], $0x400  }
0x29: {  	[sflag:s17] =	ssyncset.done $0x0  }
0x2a: {  	[sflag:s17] =	ssyncadd.s32 $0xFFFFFC00  }
0x2b: {  	s24 =	simm.s32 $0x0;
	s25 =	simm.s32 $0x0;
	[bflag:$0x0] =	sbarrier.arrive $0xFFFF  }
0x2c: {  	[tilespmem:s19], [sflag:$0x1] =	stream.indirect.gather [hbm4b:s1+s18], $0x80, s15, s18, $0xb8;
	[tilespmem:$0x1CC00] =	vst v63  }
.LBB2_2:
0x2d: {  	_ =	swait.ge [sflag:s20], $0x4000  }
0x2e: {  	p0 =	seq.s32 s24, $0x0;
	[sflag:s20] =	ssyncset.done $0x0  }
0x2f: {  	s29 =	simm.s32 @!p0 $0x2;
	[sflag:s20] =	ssyncadd.s32 $0xFFFFC000  }
0x30: {  	s28 =	sand.u32 $0x1, s25;
	p1 =	seq.s32 @!p0 s24, $0x480;
	_ =	swait.ge @!p0 [sflag:s29], $0x4000  }
0x31: {  	s26 =	sxor.u32 $0x1, s28;
	p1 =	por p0, !p1;
	[sflag:s29] =	ssyncset.done @!p0 $0x0  }
0x32: {  	[sflag:s29] =	ssyncadd.s32 @!p0 $0xFFFFC000;
	s29 =	sshll.u32 @p1 s26, $0xA  }
0x33: {  	s31 =	sadd.s32 @p1 s24, s11;
	s30 =	sadd.s32 @p1 $0x14400, s29  }
0x34: {  	[tilespmem:s30], [sflag:$0x3] =	stream.linear.gather @p1 [hbm4b:s31+s4], $0x400, $0x38;
	[tilespmem:$0x1CC00] =	vst v63  }
0x35: {  	s28 =	sshll.u32 s28, $0xA;
	s29 =	sadd.s32 @p1 $0x13C00, s29;
	s30 =	sadd.s32 @p1 s24, s12  }
0x36: {  	[tilespmem:s29], [sflag:$0x3] =	stream.linear.gather @p1 [hbm4b:s30+s4], $0x400, $0x38;
	[tilespmem:$0x1CC00] =	vst v63  }
0x37: {  	s30 =	sadd.s32 $0x14480, s28  }
0x38: {  	[tilespmem:s21], [sflag:$0x1] =	stream.indirect.gather [hbm4b:s1+s18], $0x80, s30, s18, $0xb8;
	[tilespmem:$0x1CC00] =	vst v63  }
0x39: {  	s31 =	sadd.s32 $0x13C00, s28  }
0x3a: {  	[spmem:s3] =	stream.indirect.scatter.add.f32 [tilespmem:s19], [sflag:$0x2], $0x80, s31, s18, $0xb8;
	[tilespmem:$0x1CC00] =	vst v63  }
0x3b: {  	_ =	swait.ge [sflag:s20], $0x4000  }
0x3c: {  	[sflag:s20] =	ssyncset.done $0x0  }
0x3d: {  	[sflag:s20] =	ssyncadd.s32 $0xFFFFC000  }
0x3e: {  	_ =	swait.ge [sflag:s22], $0x4000  }
0x3f: {  	[sflag:s22] =	ssyncset.done $0x0  }
0x40: {  	s30 =	sadd.s32 $0x14500, s28;
	[sflag:s22] =	ssyncadd.s32 $0xFFFFC000  }
0x41: {  	[tilespmem:s19], [sflag:$0x1] =	stream.indirect.gather [hbm4b:s1+s18], $0x80, s30, s18, $0xb8;
	[tilespmem:$0x1CC00] =	vst v63  }
0x42: {  	s31 =	sadd.s32 $0x13C80, s28  }
0x43: {  	[spmem:s3] =	stream.indirect.scatter.add.f32 [tilespmem:s21], [sflag:$0x2], $0x80, s31, s18, $0xb8;
	[tilespmem:$0x1CC00] =	vst v63  }
0x44: {  	_ =	swait.ge [sflag:s20], $0x4000  }
0x45: {  	[sflag:s20] =	ssyncset.done $0x0  }
0x46: {  	[sflag:s20] =	ssyncadd.s32 $0xFFFFC000  }
0x47: {  	_ =	swait.ge [sflag:s22], $0x4000  }
0x48: {  	[sflag:s22] =	ssyncset.done $0x0  }
0x49: {  	s30 =	sadd.s32 $0x14580, s28;
	[sflag:s22] =	ssyncadd.s32 $0xFFFFC000  }
0x4a: {  	[tilespmem:s21], [sflag:$0x1] =	stream.indirect.gather [hbm4b:s1+s18], $0x80, s30, s18, $0xb8;
	[tilespmem:$0x1CC00] =	vst v63  }
0x4b: {  	s31 =	sadd.s32 $0x13D00, s28  }
0x4c: {  	[spmem:s3] =	stream.indirect.scatter.add.f32 [tilespmem:s19], [sflag:$0x2], $0x80, s31, s18, $0xb8;
	[tilespmem:$0x1CC00] =	vst v63  }
0x4d: {  	_ =	swait.ge [sflag:s20], $0x4000  }
0x4e: {  	[sflag:s20] =	ssyncset.done $0x0  }
0x4f: {  	[sflag:s20] =	ssyncadd.s32 $0xFFFFC000  }
0x50: {  	_ =	swait.ge [sflag:s22], $0x4000  }
0x51: {  	[sflag:s22] =	ssyncset.done $0x0  }
0x52: {  	s30 =	sadd.s32 $0x14600, s28;
	[sflag:s22] =	ssyncadd.s32 $0xFFFFC000  }
0x53: {  	[tilespmem:s19], [sflag:$0x1] =	stream.indirect.gather [hbm4b:s1+s18], $0x80, s30, s18, $0xb8;
	[tilespmem:$0x1CC00] =	vst v63  }
0x54: {  	s31 =	sadd.s32 $0x13D80, s28  }
0x55: {  	[spmem:s3] =	stream.indirect.scatter.add.f32 [tilespmem:s21], [sflag:$0x2], $0x80, s31, s18, $0xb8;
	[tilespmem:$0x1CC00] =	vst v63  }
0x56: {  	_ =	swait.ge [sflag:s20], $0x4000  }
0x57: {  	[sflag:s20] =	ssyncset.done $0x0  }
0x58: {  	[sflag:s20] =	ssyncadd.s32 $0xFFFFC000  }
0x59: {  	_ =	swait.ge [sflag:s22], $0x4000  }
0x5a: {  	[sflag:s22] =	ssyncset.done $0x0  }
0x5b: {  	s30 =	sadd.s32 $0x14680, s28;
	[sflag:s22] =	ssyncadd.s32 $0xFFFFC000  }
0x5c: {  	[tilespmem:s21], [sflag:$0x1] =	stream.indirect.gather [hbm4b:s1+s18], $0x80, s30, s18, $0xb8;
	[tilespmem:$0x1CC00] =	vst v63  }
0x5d: {  	s31 =	sadd.s32 $0x13E00, s28  }
0x5e: {  	[spmem:s3] =	stream.indirect.scatter.add.f32 [tilespmem:s19], [sflag:$0x2], $0x80, s31, s18, $0xb8;
	[tilespmem:$0x1CC00] =	vst v63  }
0x5f: {  	_ =	swait.ge [sflag:s20], $0x4000  }
0x60: {  	[sflag:s20] =	ssyncset.done $0x0  }
0x61: {  	[sflag:s20] =	ssyncadd.s32 $0xFFFFC000  }
0x62: {  	_ =	swait.ge [sflag:s22], $0x4000  }
0x63: {  	[sflag:s22] =	ssyncset.done $0x0  }
0x64: {  	s30 =	sadd.s32 $0x14700, s28;
	[sflag:s22] =	ssyncadd.s32 $0xFFFFC000  }
0x65: {  	[tilespmem:s19], [sflag:$0x1] =	stream.indirect.gather [hbm4b:s1+s18], $0x80, s30, s18, $0xb8;
	[tilespmem:$0x1CC00] =	vst v63  }
0x66: {  	s31 =	sadd.s32 $0x13E80, s28  }
0x67: {  	[spmem:s3] =	stream.indirect.scatter.add.f32 [tilespmem:s21], [sflag:$0x2], $0x80, s31, s18, $0xb8;
	[tilespmem:$0x1CC00] =	vst v63  }
0x68: {  	_ =	swait.ge [sflag:s20], $0x4000  }
0x69: {  	[sflag:s20] =	ssyncset.done $0x0  }
0x6a: {  	[sflag:s20] =	ssyncadd.s32 $0xFFFFC000  }
0x6b: {  	_ =	swait.ge [sflag:s22], $0x4000  }
0x6c: {  	[sflag:s22] =	ssyncset.done $0x0  }
0x6d: {  	s30 =	sadd.s32 $0x14780, s28;
	[sflag:s22] =	ssyncadd.s32 $0xFFFFC000  }
0x6e: {  	[tilespmem:s21], [sflag:$0x1] =	stream.indirect.gather [hbm4b:s1+s18], $0x80, s30, s18, $0xb8;
	[tilespmem:$0x1CC00] =	vst v63  }
0x6f: {  	s31 =	sadd.s32 $0x13F00, s28  }
0x70: {  	[spmem:s3] =	stream.indirect.scatter.add.f32 [tilespmem:s19], [sflag:$0x2], $0x80, s31, s18, $0xb8;
	[tilespmem:$0x1CC00] =	vst v63  }
0x71: {  	p0 =	sne.s32 s24, $0x480;
	_ =	swait.ge [sflag:s20], $0x4000  }
.Ltmp2:
0x72: {  	[sflag:s20] =	ssyncset.done $0x0;
	(pc) =	sbr.rel @!p0 .LBB2_3-.Ltmp2, $4  }
0x73: {  	[sflag:s20] =	ssyncadd.s32 $0xFFFFC000  }
0x74: {  	_ =	swait.ge [sflag:s22], $0x4000  }
0x75: {  	[sflag:s22] =	ssyncset.done $0x0  }
0x76: {  	s28 =	sor.u32 $0x380, s28;
	[sflag:s22] =	ssyncadd.s32 $0xFFFFC000  }
0x77: {  	_ =	swait.ge [sflag:s17], $0x400  }
0x78: {  	[sflag:s17] =	ssyncset.done $0x0  }
0x79: {  	s24 =	sadd.s32 $0x80, s24;
	[sflag:s17] =	ssyncadd.s32 $0xFFFFFC00  }
0x7a: {  	p0 =	sne.s32 s24, $0x500;
	_ =	swait.ge [sflag:s17], $0x400  }
.Ltmp3:
0x7b: {  	s26 =	sshll.u32 s26, $0xA;
	[sflag:s17] =	ssyncset.done $0x0;
	(pc) =	sbr.rel @p0 .LBB2_2-.Ltmp3, $4  }
.Ltmp4:
0x7c: {  	s26 =	sadd.s32 $0x14400, s26;
	[sflag:s17] =	ssyncadd.s32 $0xFFFFFC00;
	(pc) =	sbr.rel @!p0 .LBB2_5-.Ltmp4, $4  }
0x7d: {  	[tilespmem:s19], [sflag:$0x1] =	stream.indirect.gather [hbm4b:s1+s18], $0x80, s26, s18, $0xb8;
	[tilespmem:$0x1CC00] =	vst v63  }
0x7e: {  	s31 =	sadd.s32 $0x13C00, s28;
	s25 =	sadd.s32 $0x1, s25  }
0x7f: {  	[spmem:s3] =	stream.indirect.scatter.add.f32 [tilespmem:s21], [sflag:$0x2], $0x80, s31, s18, $0xb8;
	[tilespmem:$0x1CC00] =	vst v63  }
0x80: {  	_ = 	snop  }
.LBB2_6:
0x81: {  	_ =	sfence.sel $0x180000  }
0x82: {  	[bflag:$0x0] =	sbarrier.arrive $0xFFFF  }
0x83: {  	p0 =	sne.s32 s0, $0x0;
	_ =	strace $0x90000047  }
0x84: {  	s0 =	sadd.s32 @!p0 $0x100000, s2;
	[bflag:$0x2] =	sbarrier.arrive $0xFFFF  }
0x85: {  	[sflag:s0] =	ssyncadd.tile.s32 @!p0 $0x1;
	_ =	shalt  }
.Lfunc_end2:
_tile_overlayer_lowered:
.L_overlay_start_2:
0x86: {  	(tag) =	ssettag $0x2  }
0x87: {  	s0 =	rddreg [dreg:$0x0];
	s2 =	stileid.u32  }
0x88: {  	s1 =	rddreg [dreg:$0x1];
	p0 =	sne.s32 s2, $0x0  }
0x89: {  	s3 =	rddreg [dreg:$0x2];
	[bflag:$0x3] =	sbarrier.arrive $0xFFFF;
	s2 =	simm.s32 @!p0 $0x1C04  }
0x8a: {  	[timem:s3], [sflag:s2] =	dma.local @!p0 [hbm:s0], s1  }
0x8b: {  	s0 =	simm.s32 @!p0 $0x4  }
0x8c: {  	_ =	swait.ge @!p0 [sflag:s0], s1  }
0x8d: {  	s1 =	ssub.s32 @!p0 $0x0, s1;
	[sflag:s0] =	ssyncset.done @!p0 $0x0  }
0x8e: {  	[sflag:s0] =	ssyncadd.s32 @!p0 s1  }
0x8f: {  	[bflag:$0x3] =	sbarrier.arrive $0xFFFF  }
0x90: {  	_ =	shalt  }

</sc_bundles>
